<compile_context>
chip_gen: v7x
topology: tpu7x:2x2x1
jax: 0.10.2.dev20260603
libtpu: 0.0.44.dev20260713+nightly
codegen_flags: <defaults>
</compile_context>

<pallas_src>
import functools
import jax
import jax.numpy as jnp
from jax import lax
from jax.experimental import pallas as pl
from jax.experimental.pallas import tpu as pltpu
from jax.experimental.pallas import tpu_sc as plsc

_NUM_CLASSES = 5
_FEAT = 64
_LAMBDA_C = 0.01
_L = 16
_NW = 32
_CHUNKS = _FEAT // _L


def _lane_shuffle(x, idx):
    dnums = lax.GatherDimensionNumbers(
        offset_dims=(), collapsed_slice_dims=(0,), start_index_map=(0,))
    return lax.gather(x, idx[:, None], dnums, (1,),
                      mode=lax.GatherScatterMode.PROMISE_IN_BOUNDS)


def _allreduce_lanes(x):
    iota = lax.iota(jnp.int32, _L)
    for sh in (8, 4, 2, 1):
        x = x + _lane_shuffle(x, (iota + sh) % _L)
    return x


def _sc_body(z_hbm, t_hbm, c_hbm, out_hbm, z_v, t_v, c_v, csq_v, s_v, part_v,
             red_v, out_v, shared, sem):
    batch = t_hbm.shape[0]
    rows = batch // _NW
    groups = rows // _L
    wid = lax.axis_index("s") * 2 + lax.axis_index("c")

    zcopy = pltpu.make_async_copy(
        z_hbm.at[pl.ds(wid * (rows // 2), rows // 2), :], z_v, sem)
    zcopy.start()
    pltpu.sync_copy(t_hbm.at[pl.ds(wid * rows, rows)], t_v)
    pltpu.sync_copy(c_hbm, c_v)

    iota = lax.iota(jnp.int32, _L)
    fzero = jnp.zeros((_L,), jnp.float32)

    csq = fzero
    for k in range(_NUM_CLASSES):
        sq = fzero
        for c in range(_CHUNKS):
            cv = c_v[k, pl.ds(c * _L, _L)]
            sq = sq + cv * cv
        csq = jnp.where(iota == k, _allreduce_lanes(sq), csq)
    csq_v[...] = csq

    for c in range(_NUM_CLASSES * _CHUNKS):
        s_v[pl.ds(c * _L, _L)] = fzero

    zcopy.wait()

    @plsc.parallel_loop(0, rows // 2, unroll=4, carry=(fzero,) * (2 * _CHUNKS))
    def row_loop(pair, accs):
        accs = list(accs)
        for h in range(2):
            row = pair * 2 + h
            t_splat = plsc.load_gather(t_v, [jnp.full((_L,), row, jnp.int32)])
            cbase = t_splat * _FEAT + iota
            for c in range(_CHUNKS):
                zv = z_v[pair, pl.ds(h * _FEAT + c * _L, _L)]
                a = h * _CHUNKS + c
                accs[a] = accs[a] + zv * zv
                plsc.addupdate_scatter(s_v, [cbase + (c * _L)], zv)
        return tuple(accs)

    acc_sq = fzero
    for a in row_loop:
        acc_sq = acc_sq + a

    @plsc.parallel_loop(0, groups, unroll=4, carry=fzero)
    def csq_loop(g, acc):
        t_vec = t_v[pl.ds(g * _L, _L)]
        return acc + plsc.load_gather(csq_v, [t_vec])

    acc_csq = csq_loop

    cross = fzero
    for k in range(_NUM_CLASSES):
        for c in range(_CHUNKS):
            o = k * _FEAT + c * _L
            cross = cross + s_v[pl.ds(o, _L)] * c_v[k, pl.ds(c * _L, _L)]

    sid = lax.axis_index("s")
    cid = lax.axis_index("c")
    scale = _LAMBDA_C * 0.5 / batch
    part_v[...] = (acc_sq - 2.0 * cross + acc_csq) * scale
    pltpu.sync_copy(part_v, shared.at[pl.ds(sid * _L, _L)])
    plsc.subcore_barrier()

    @pl.when(sid == 0)
    def _finish():
        pltpu.sync_copy(shared, red_v)
        total = fzero
        for w in range(_NW // 2):
            total = total + red_v[pl.ds(w * _L, _L)]
        out_v[...] = total
        pltpu.sync_copy(out_v, out_hbm.at[cid])


def kernel(z, targets, centers):
    batch = z.shape[0]
    rows = batch // _NW
    run = pl.kernel(
        _sc_body,
        out_type=jax.ShapeDtypeStruct((2, _L), jnp.float32),
        mesh=plsc.VectorSubcoreMesh(core_axis_name="c", subcore_axis_name="s"),
        compiler_params=pltpu.CompilerParams(needs_layout_passes=False),
        scratch_types=[
            pltpu.VMEM((rows // 2, 2 * _FEAT), jnp.float32),
            pltpu.VMEM((rows,), jnp.int32),
            pltpu.VMEM((_NUM_CLASSES, _FEAT), jnp.float32),
            pltpu.VMEM((_L,), jnp.float32),
            pltpu.VMEM((_NUM_CLASSES * _FEAT,), jnp.float32),
            pltpu.VMEM((_L,), jnp.float32),
            pltpu.VMEM((_NW // 2 * _L,), jnp.float32),
            pltpu.VMEM((_L,), jnp.float32),
            pltpu.VMEM_SHARED((_NW // 2 * _L,), jnp.float32),
            pltpu.SemaphoreType.DMA,
        ],
    )
    out = run(z.reshape(batch // 2, 2 * _FEAT), targets.astype(jnp.int32), centers)
    return jnp.sum(out)

# --- scband reference (transcript-rebuilt; emitter-appended) ---
"""Pipeline reference for scband-center-loss-63728724738466 (READ-ONLY COPY).

The authoritative reference and input builder live on the scoring server;
editing this copy changes nothing except your own understanding.
"""

import jax, jax.numpy as jnp
import numpy as np

NUM_CLASSES = 5
FEAT_DIM = 64
BATCH = 16384
LAMBDA_C = 0.01


def setup_inputs(seed: int = 0) -> dict:
    key = jax.random.key(seed)
    k1, k2, k3 = jax.random.split(key, 3)
    z = jax.random.normal(k1, (BATCH, FEAT_DIM), dtype=jnp.float32)
    targets = jax.random.randint(k2, (BATCH,), 0, NUM_CLASSES, dtype=jnp.int64)
    centers = jax.random.normal(k3, (NUM_CLASSES, FEAT_DIM), dtype=jnp.float32) * 0.1
    return {"z": z, "targets": targets, "centers": centers}


def reference(z, targets, centers):
    # batch_centers = self.centers[targets]  -> gather
    batch_centers = jnp.take(centers, targets, axis=0)
    dist = jnp.sum((z - batch_centers) ** 2, axis=1)
    return LAMBDA_C * 0.5 * jnp.mean(dist)

if __name__ == "__main__":
    import jax
    _d = setup_inputs()
    print(jax.jit(kernel)(*tuple(_d.values())))

</pallas_src>

<mosaic_0001>
#map = affine_map<(d0, d1) -> (0, 0)>
#map1 = affine_map<(d0, d1) -> (0)>
module attributes {stable_mosaic.version = 14 : i64} {
  func.func @_sc_body(%arg0: i32, %arg1: i32, %arg2: memref<8192x128xf32, #tpu.memory_space<hbm>>, %arg3: memref<16384xi32, #tpu.memory_space<hbm>>, %arg4: memref<5x64xf32, #tpu.memory_space<hbm>>, %arg5: memref<2x16xf32, #tpu.memory_space<hbm>>, %arg6: memref<256x128xf32, #tpu.memory_space<vmem>>, %arg7: memref<512xi32, #tpu.memory_space<vmem>>, %arg8: memref<5x64xf32, #tpu.memory_space<vmem>>, %arg9: memref<16xf32, #tpu.memory_space<vmem>>, %arg10: memref<320xf32, #tpu.memory_space<vmem>>, %arg11: memref<16xf32, #tpu.memory_space<vmem>>, %arg12: memref<256xf32, #tpu.memory_space<vmem>>, %arg13: memref<16xf32, #tpu.memory_space<vmem>>, %arg14: memref<256xf32, #tpu.memory_space<vmem_shared>>, %arg15: memref<!tpu.dma_semaphore, #tpu.memory_space<semaphore_mem>>) attributes {dimension_semantics = [#tpu.dimension_semantics<core_parallel>, #tpu.dimension_semantics<subcore_parallel>], iteration_bounds = array<i64: 2, 16>, scalar_prefetch = 0 : i64, scratch_operands = 10 : i64, tpu.core_type = #tpu.core_type<sc_vector_subcore>, window_params = [{transform_indices = #map}, {transform_indices = #map1}, {transform_indices = #map}, {transform_indices = #map}]} {
    %mul3A = arith.constant 2 : i32
    %mul3A_0 = arith.muli %arg1, %mul3A : i32
    %add3A = arith.addi %mul3A_0, %arg0 : i32
    %mul3A_1 = arith.constant 256 : i32
    %mul3A_2 = arith.muli %add3A, %mul3A_1 : i32
    %dma_start3A = arith.constant 0 : i32
    %dma_start3A_3 = tpu.memref_slice %arg2[%mul3A_2, %dma_start3A] : memref<8192x128xf32, #tpu.memory_space<hbm>> -> memref<256x128xf32, #tpu.memory_space<hbm>>
    %dma_start3A_4 = arith.constant 0 : i32
    %dma_start3A_5 = tpu.memref_slice %arg2[%mul3A_2, %dma_start3A_4] : memref<8192x128xf32, #tpu.memory_space<hbm>> -> memref<256x128xf32, #tpu.memory_space<hbm>>
    tpu.enqueue_dma source(%dma_start3A_5 : memref<256x128xf32, #tpu.memory_space<hbm>>) target(%arg6 : memref<256x128xf32, #tpu.memory_space<vmem>>) target_semaphore(%arg15 : memref<!tpu.dma_semaphore, #tpu.memory_space<semaphore_mem>>)
    %mul3A_6 = arith.constant 512 : i32
    %mul3A_7 = arith.muli %add3A, %mul3A_6 : i32
    "tpu.region"() ({
      %run_scoped3A = tpu.sem_alloc : memref<!tpu.dma_semaphore, #tpu.memory_space<semaphore_mem>>
      %dma_start3A_958 = tpu.memref_slice %arg3[%mul3A_7] : memref<16384xi32, #tpu.memory_space<hbm>> -> memref<512xi32, #tpu.memory_space<hbm>>
      %dma_start3A_959 = tpu.memref_slice %arg3[%mul3A_7] : memref<16384xi32, #tpu.memory_space<hbm>> -> memref<512xi32, #tpu.memory_space<hbm>>
      tpu.enqueue_dma source(%dma_start3A_959 : memref<512xi32, #tpu.memory_space<hbm>>) target(%arg7 : memref<512xi32, #tpu.memory_space<vmem>>) target_semaphore(%run_scoped3A : memref<!tpu.dma_semaphore, #tpu.memory_space<semaphore_mem>>)
      %dma_wait3A_960 = tpu.memref_slice %arg3[%mul3A_7] : memref<16384xi32, #tpu.memory_space<hbm>> -> memref<512xi32, #tpu.memory_space<hbm>>
      %dma_wait3A_961 = tpu.memref_slice %arg3[%mul3A_7] : memref<16384xi32, #tpu.memory_space<hbm>> -> memref<512xi32, #tpu.memory_space<hbm>>
      tpu.wait_dma2 semaphore(%run_scoped3A : memref<!tpu.dma_semaphore, #tpu.memory_space<semaphore_mem>>) src(%dma_wait3A_961 : memref<512xi32, #tpu.memory_space<hbm>>) dst(%arg7 : memref<512xi32, #tpu.memory_space<vmem>>)
      tpu.yield
    }) : () -> ()
    "tpu.region"() ({
      %run_scoped3A = tpu.sem_alloc : memref<!tpu.dma_semaphore, #tpu.memory_space<semaphore_mem>>
      tpu.enqueue_dma source(%arg4 : memref<5x64xf32, #tpu.memory_space<hbm>>) target(%arg8 : memref<5x64xf32, #tpu.memory_space<vmem>>) target_semaphore(%run_scoped3A : memref<!tpu.dma_semaphore, #tpu.memory_space<semaphore_mem>>)
      tpu.wait_dma2 semaphore(%run_scoped3A : memref<!tpu.dma_semaphore, #tpu.memory_space<semaphore_mem>>) src(%arg4 : memref<5x64xf32, #tpu.memory_space<hbm>>) dst(%arg8 : memref<5x64xf32, #tpu.memory_space<vmem>>)
      tpu.yield
    }) : () -> ()
    %iota3A = tpu.iota {dimensions = array<i32: 0>} : vector<16xi32>
    %broadcast_in_dim3A = arith.constant 0.000000e+00 : f32
    %broadcast_in_dim3A_8 = vector.broadcast %broadcast_in_dim3A : f32 to vector<16xf32>
    %get3A = arith.constant 0 : i32
    %get3A_9 = arith.index_cast %get3A : i32 to index
    %get3A_10 = arith.constant 0 : index
    %get3A_11 = tpu.vector_load %arg8[%get3A_9, %get3A_10] {strides = array<i32>} : memref<5x64xf32, #tpu.memory_space<vmem>>, vector<16xf32>,
    %mul3A_12 = arith.mulf %get3A_11, %get3A_11 : vector<16xf32>
    %add3A_13 = arith.addf %broadcast_in_dim3A_8, %mul3A_12 : vector<16xf32>
    %get3A_14 = arith.constant 0 : i32
    %get3A_15 = arith.index_cast %get3A_14 : i32 to index
    %get3A_16 = arith.constant 16 : index
    %get3A_17 = tpu.vector_load %arg8[%get3A_15, %get3A_16] {strides = array<i32>} : memref<5x64xf32, #tpu.memory_space<vmem>>, vector<16xf32>,
    %mul3A_18 = arith.mulf %get3A_17, %get3A_17 : vector<16xf32>
    %add3A_19 = arith.addf %add3A_13, %mul3A_18 : vector<16xf32>
    %get3A_20 = arith.constant 0 : i32
    %get3A_21 = arith.index_cast %get3A_20 : i32 to index
    %get3A_22 = arith.constant 32 : index
    %get3A_23 = tpu.vector_load %arg8[%get3A_21, %get3A_22] {strides = array<i32>} : memref<5x64xf32, #tpu.memory_space<vmem>>, vector<16xf32>,
    %mul3A_24 = arith.mulf %get3A_23, %get3A_23 : vector<16xf32>
    %add3A_25 = arith.addf %add3A_19, %mul3A_24 : vector<16xf32>
    %get3A_26 = arith.constant 0 : i32
    %get3A_27 = arith.index_cast %get3A_26 : i32 to index
    %get3A_28 = arith.constant 48 : index
    %get3A_29 = tpu.vector_load %arg8[%get3A_27, %get3A_28] {strides = array<i32>} : memref<5x64xf32, #tpu.memory_space<vmem>>, vector<16xf32>,
    %mul3A_30 = arith.mulf %get3A_29, %get3A_29 : vector<16xf32>
    %add3A_31 = arith.addf %add3A_25, %mul3A_30 : vector<16xf32>
    %eq3A = arith.constant 0 : i32
    %eq3A_32 = vector.broadcast %eq3A : i32 to vector<16xi32>
    %eq3A_33 = arith.cmpi eq, %iota3A, %eq3A_32 : vector<16xi32>
    %iota3A_34 = tpu.iota {dimensions = array<i32: 0>} : vector<16xi32>
    %add3A_35 = arith.constant 8 : i32
    %add3A_36 = vector.broadcast %add3A_35 : i32 to vector<16xi32>
    %add3A_37 = arith.addi %iota3A_34, %add3A_36 : vector<16xi32>
    %jit3A = arith.constant 16 : i32
    %eq3A_38 = arith.constant 0 : i32
    %eq3A_39 = arith.cmpi eq, %jit3A, %eq3A_38 : i32
    %jit3A_40 = arith.constant 1 : i32
    %select_n3A = arith.select %eq3A_39, %jit3A_40, %jit3A : i32
    %rem3A = vector.broadcast %select_n3A : i32 to vector<16xi32>
    %rem3A_41 = arith.remsi %add3A_37, %rem3A : vector<16xi32>
    %ne3A = arith.constant 0 : i32
    %ne3A_42 = vector.broadcast %ne3A : i32 to vector<16xi32>
    %ne3A_43 = arith.cmpi ne, %rem3A_41, %ne3A_42 : vector<16xi32>
    %lt3A = arith.constant 0 : i32
    %lt3A_44 = vector.broadcast %lt3A : i32 to vector<16xi32>
    %lt3A_45 = arith.cmpi slt, %rem3A_41, %lt3A_44 : vector<16xi32>
    %lt3A_46 = arith.constant 0 : i32
    %lt3A_47 = arith.cmpi slt, %select_n3A, %lt3A_46 : i32
    %ne3A_48 = vector.broadcast %lt3A_47 : i1 to vector<16xi1>
    %ne3A_49 = vector.broadcast %ne3A_48 : vector<16xi1> to vector<16xi1>
    %ne3A_50 = arith.xori %lt3A_45, %ne3A_49 : vector<16xi1>
    %and3A = arith.andi %ne3A_50, %ne3A_43 : vector<16xi1>
    %add3A_51 = vector.broadcast %select_n3A : i32 to vector<16xi32>
    %add3A_52 = arith.addi %rem3A_41, %add3A_51 : vector<16xi32>
    %select_n3A_53 = arith.select %and3A, %add3A_52, %rem3A_41 : vector<16xi1>, vector<16xi32>
    %broadcast_in_dim3A_54 = vector.shape_cast %select_n3A_53 : vector<16xi32> to vector<16x1xi32>
    %gather3A = vector.shape_cast %broadcast_in_dim3A_54 : vector<16x1xi32> to vector<16xi32>
    %gather3A_55 = tpu.dynamic_gather %add3A_31[%gather3A] in [0] : vector<16xf32>, vector<16xi32> -> vector<16xf32>
    %add3A_56 = arith.addf %add3A_31, %gather3A_55 : vector<16xf32>
    %add3A_57 = arith.constant 4 : i32
    %add3A_58 = vector.broadcast %add3A_57 : i32 to vector<16xi32>
    %add3A_59 = arith.addi %iota3A_34, %add3A_58 : vector<16xi32>
    %jit3A_60 = arith.constant 16 : i32
    %eq3A_61 = arith.constant 0 : i32
    %eq3A_62 = arith.cmpi eq, %jit3A_60, %eq3A_61 : i32
    %jit3A_63 = arith.constant 1 : i32
    %select_n3A_64 = arith.select %eq3A_62, %jit3A_63, %jit3A_60 : i32
    %rem3A_65 = vector.broadcast %select_n3A_64 : i32 to vector<16xi32>
    %rem3A_66 = arith.remsi %add3A_59, %rem3A_65 : vector<16xi32>
    %ne3A_67 = arith.constant 0 : i32
    %ne3A_68 = vector.broadcast %ne3A_67 : i32 to vector<16xi32>
    %ne3A_69 = arith.cmpi ne, %rem3A_66, %ne3A_68 : vector<16xi32>
    %lt3A_70 = arith.constant 0 : i32
    %lt3A_71 = vector.broadcast %lt3A_70 : i32 to vector<16xi32>
    %lt3A_72 = arith.cmpi slt, %rem3A_66, %lt3A_71 : vector<16xi32>
    %lt3A_73 = arith.constant 0 : i32
    %lt3A_74 = arith.cmpi slt, %select_n3A_64, %lt3A_73 : i32
    %ne3A_75 = vector.broadcast %lt3A_74 : i1 to vector<16xi1>
    %ne3A_76 = vector.broadcast %ne3A_75 : vector<16xi1> to vector<16xi1>
    %ne3A_77 = arith.xori %lt3A_72, %ne3A_76 : vector<16xi1>
    %and3A_78 = arith.andi %ne3A_77, %ne3A_69 : vector<16xi1>
    %add3A_79 = vector.broadcast %select_n3A_64 : i32 to vector<16xi32>
    %add3A_80 = arith.addi %rem3A_66, %add3A_79 : vector<16xi32>
    %select_n3A_81 = arith.select %and3A_78, %add3A_80, %rem3A_66 : vector<16xi1>, vector<16xi32>
    %broadcast_in_dim3A_82 = vector.shape_cast %select_n3A_81 : vector<16xi32> to vector<16x1xi32>
    %gather3A_83 = vector.shape_cast %broadcast_in_dim3A_82 : vector<16x1xi32> to vector<16xi32>
    %gather3A_84 = tpu.dynamic_gather %add3A_56[%gather3A_83] in [0] : vector<16xf32>, vector<16xi32> -> vector<16xf32>
    %add3A_85 = arith.addf %add3A_56, %gather3A_84 : vector<16xf32>
    %add3A_86 = arith.constant 2 : i32
    %add3A_87 = vector.broadcast %add3A_86 : i32 to vector<16xi32>
    %add3A_88 = arith.addi %iota3A_34, %add3A_87 : vector<16xi32>
    %jit3A_89 = arith.constant 16 : i32
    %eq3A_90 = arith.constant 0 : i32
    %eq3A_91 = arith.cmpi eq, %jit3A_89, %eq3A_90 : i32
    %jit3A_92 = arith.constant 1 : i32
    %select_n3A_93 = arith.select %eq3A_91, %jit3A_92, %jit3A_89 : i32
    %rem3A_94 = vector.broadcast %select_n3A_93 : i32 to vector<16xi32>
    %rem3A_95 = arith.remsi %add3A_88, %rem3A_94 : vector<16xi32>
    %ne3A_96 = arith.constant 0 : i32
    %ne3A_97 = vector.broadcast %ne3A_96 : i32 to vector<16xi32>
    %ne3A_98 = arith.cmpi ne, %rem3A_95, %ne3A_97 : vector<16xi32>
    %lt3A_99 = arith.constant 0 : i32
    %lt3A_100 = vector.broadcast %lt3A_99 : i32 to vector<16xi32>
    %lt3A_101 = arith.cmpi slt, %rem3A_95, %lt3A_100 : vector<16xi32>
    %lt3A_102 = arith.constant 0 : i32
    %lt3A_103 = arith.cmpi slt, %select_n3A_93, %lt3A_102 : i32
    %ne3A_104 = vector.broadcast %lt3A_103 : i1 to vector<16xi1>
    %ne3A_105 = vector.broadcast %ne3A_104 : vector<16xi1> to vector<16xi1>
    %ne3A_106 = arith.xori %lt3A_101, %ne3A_105 : vector<16xi1>
    %and3A_107 = arith.andi %ne3A_106, %ne3A_98 : vector<16xi1>
    %add3A_108 = vector.broadcast %select_n3A_93 : i32 to vector<16xi32>
    %add3A_109 = arith.addi %rem3A_95, %add3A_108 : vector<16xi32>
    %select_n3A_110 = arith.select %and3A_107, %add3A_109, %rem3A_95 : vector<16xi1>, vector<16xi32>
    %broadcast_in_dim3A_111 = vector.shape_cast %select_n3A_110 : vector<16xi32> to vector<16x1xi32>
    %gather3A_112 = vector.shape_cast %broadcast_in_dim3A_111 : vector<16x1xi32> to vector<16xi32>
    %gather3A_113 = tpu.dynamic_gather %add3A_85[%gather3A_112] in [0] : vector<16xf32>, vector<16xi32> -> vector<16xf32>
    %add3A_114 = arith.addf %add3A_85, %gather3A_113 : vector<16xf32>
    %add3A_115 = arith.constant 1 : i32
    %add3A_116 = vector.broadcast %add3A_115 : i32 to vector<16xi32>
    %add3A_117 = arith.addi %iota3A_34, %add3A_116 : vector<16xi32>
    %jit3A_118 = arith.constant 16 : i32
    %eq3A_119 = arith.constant 0 : i32
    %eq3A_120 = arith.cmpi eq, %jit3A_118, %eq3A_119 : i32
    %jit3A_121 = arith.constant 1 : i32
    %select_n3A_122 = arith.select %eq3A_120, %jit3A_121, %jit3A_118 : i32
    %rem3A_123 = vector.broadcast %select_n3A_122 : i32 to vector<16xi32>
    %rem3A_124 = arith.remsi %add3A_117, %rem3A_123 : vector<16xi32>
    %ne3A_125 = arith.constant 0 : i32
    %ne3A_126 = vector.broadcast %ne3A_125 : i32 to vector<16xi32>
    %ne3A_127 = arith.cmpi ne, %rem3A_124, %ne3A_126 : vector<16xi32>
    %lt3A_128 = arith.constant 0 : i32
    %lt3A_129 = vector.broadcast %lt3A_128 : i32 to vector<16xi32>
    %lt3A_130 = arith.cmpi slt, %rem3A_124, %lt3A_129 : vector<16xi32>
    %lt3A_131 = arith.constant 0 : i32
    %lt3A_132 = arith.cmpi slt, %select_n3A_122, %lt3A_131 : i32
    %ne3A_133 = vector.broadcast %lt3A_132 : i1 to vector<16xi1>
    %ne3A_134 = vector.broadcast %ne3A_133 : vector<16xi1> to vector<16xi1>
    %ne3A_135 = arith.xori %lt3A_130, %ne3A_134 : vector<16xi1>
    %and3A_136 = arith.andi %ne3A_135, %ne3A_127 : vector<16xi1>
    %add3A_137 = vector.broadcast %select_n3A_122 : i32 to vector<16xi32>
    %add3A_138 = arith.addi %rem3A_124, %add3A_137 : vector<16xi32>
    %select_n3A_139 = arith.select %and3A_136, %add3A_138, %rem3A_124 : vector<16xi1>, vector<16xi32>
    %broadcast_in_dim3A_140 = vector.shape_cast %select_n3A_139 : vector<16xi32> to vector<16x1xi32>
    %gather3A_141 = vector.shape_cast %broadcast_in_dim3A_140 : vector<16x1xi32> to vector<16xi32>
    %gather3A_142 = tpu.dynamic_gather %add3A_114[%gather3A_141] in [0] : vector<16xf32>, vector<16xi32> -> vector<16xf32>
    %add3A_143 = arith.addf %add3A_114, %gather3A_142 : vector<16xf32>
    %select_n3A_144 = arith.select %eq3A_33, %add3A_143, %broadcast_in_dim3A_8 : vector<16xi1>, vector<16xf32>
    %get3A_145 = arith.constant 1 : i32
    %get3A_146 = arith.index_cast %get3A_145 : i32 to index
    %get3A_147 = arith.constant 0 : index
    %get3A_148 = tpu.vector_load %arg8[%get3A_146, %get3A_147] {strides = array<i32>} : memref<5x64xf32, #tpu.memory_space<vmem>>, vector<16xf32>,
    %mul3A_149 = arith.mulf %get3A_148, %get3A_148 : vector<16xf32>
    %add3A_150 = arith.addf %broadcast_in_dim3A_8, %mul3A_149 : vector<16xf32>
    %get3A_151 = arith.constant 1 : i32
    %get3A_152 = arith.index_cast %get3A_151 : i32 to index
    %get3A_153 = arith.constant 16 : index
    %get3A_154 = tpu.vector_load %arg8[%get3A_152, %get3A_153] {strides = array<i32>} : memref<5x64xf32, #tpu.memory_space<vmem>>, vector<16xf32>,
    %mul3A_155 = arith.mulf %get3A_154, %get3A_154 : vector<16xf32>
    %add3A_156 = arith.addf %add3A_150, %mul3A_155 : vector<16xf32>
    %get3A_157 = arith.constant 1 : i32
    %get3A_158 = arith.index_cast %get3A_157 : i32 to index
    %get3A_159 = arith.constant 32 : index
    %get3A_160 = tpu.vector_load %arg8[%get3A_158, %get3A_159] {strides = array<i32>} : memref<5x64xf32, #tpu.memory_space<vmem>>, vector<16xf32>,
    %mul3A_161 = arith.mulf %get3A_160, %get3A_160 : vector<16xf32>
    %add3A_162 = arith.addf %add3A_156, %mul3A_161 : vector<16xf32>
    %get3A_163 = arith.constant 1 : i32
    %get3A_164 = arith.index_cast %get3A_163 : i32 to index
    %get3A_165 = arith.constant 48 : index
    %get3A_166 = tpu.vector_load %arg8[%get3A_164, %get3A_165] {strides = array<i32>} : memref<5x64xf32, #tpu.memory_space<vmem>>, vector<16xf32>,
    %mul3A_167 = arith.mulf %get3A_166, %get3A_166 : vector<16xf32>
    %add3A_168 = arith.addf %add3A_162, %mul3A_167 : vector<16xf32>
    %eq3A_169 = arith.constant 1 : i32
    %eq3A_170 = vector.broadcast %eq3A_169 : i32 to vector<16xi32>
    %eq3A_171 = arith.cmpi eq, %iota3A, %eq3A_170 : vector<16xi32>
    %iota3A_172 = tpu.iota {dimensions = array<i32: 0>} : vector<16xi32>
    %add3A_173 = arith.constant 8 : i32
    %add3A_174 = vector.broadcast %add3A_173 : i32 to vector<16xi32>
    %add3A_175 = arith.addi %iota3A_172, %add3A_174 : vector<16xi32>
    %jit3A_176 = arith.constant 16 : i32
    %eq3A_177 = arith.constant 0 : i32
    %eq3A_178 = arith.cmpi eq, %jit3A_176, %eq3A_177 : i32
    %jit3A_179 = arith.constant 1 : i32
    %select_n3A_180 = arith.select %eq3A_178, %jit3A_179, %jit3A_176 : i32
    %rem3A_181 = vector.broadcast %select_n3A_180 : i32 to vector<16xi32>
    %rem3A_182 = arith.remsi %add3A_175, %rem3A_181 : vector<16xi32>
    %ne3A_183 = arith.constant 0 : i32
    %ne3A_184 = vector.broadcast %ne3A_183 : i32 to vector<16xi32>
    %ne3A_185 = arith.cmpi ne, %rem3A_182, %ne3A_184 : vector<16xi32>
    %lt3A_186 = arith.constant 0 : i32
    %lt3A_187 = vector.broadcast %lt3A_186 : i32 to vector<16xi32>
    %lt3A_188 = arith.cmpi slt, %rem3A_182, %lt3A_187 : vector<16xi32>
    %lt3A_189 = arith.constant 0 : i32
    %lt3A_190 = arith.cmpi slt, %select_n3A_180, %lt3A_189 : i32
    %ne3A_191 = vector.broadcast %lt3A_190 : i1 to vector<16xi1>
    %ne3A_192 = vector.broadcast %ne3A_191 : vector<16xi1> to vector<16xi1>
    %ne3A_193 = arith.xori %lt3A_188, %ne3A_192 : vector<16xi1>
    %and3A_194 = arith.andi %ne3A_193, %ne3A_185 : vector<16xi1>
    %add3A_195 = vector.broadcast %select_n3A_180 : i32 to vector<16xi32>
    %add3A_196 = arith.addi %rem3A_182, %add3A_195 : vector<16xi32>
    %select_n3A_197 = arith.select %and3A_194, %add3A_196, %rem3A_182 : vector<16xi1>, vector<16xi32>
    %broadcast_in_dim3A_198 = vector.shape_cast %select_n3A_197 : vector<16xi32> to vector<16x1xi32>
    %gather3A_199 = vector.shape_cast %broadcast_in_dim3A_198 : vector<16x1xi32> to vector<16xi32>
    %gather3A_200 = tpu.dynamic_gather %add3A_168[%gather3A_199] in [0] : vector<16xf32>, vector<16xi32> -> vector<16xf32>
    %add3A_201 = arith.addf %add3A_168, %gather3A_200 : vector<16xf32>
    %add3A_202 = arith.constant 4 : i32
    %add3A_203 = vector.broadcast %add3A_202 : i32 to vector<16xi32>
    %add3A_204 = arith.addi %iota3A_172, %add3A_203 : vector<16xi32>
    %jit3A_205 = arith.constant 16 : i32
    %eq3A_206 = arith.constant 0 : i32
    %eq3A_207 = arith.cmpi eq, %jit3A_205, %eq3A_206 : i32
    %jit3A_208 = arith.constant 1 : i32
    %select_n3A_209 = arith.select %eq3A_207, %jit3A_208, %jit3A_205 : i32
    %rem3A_210 = vector.broadcast %select_n3A_209 : i32 to vector<16xi32>
    %rem3A_211 = arith.remsi %add3A_204, %rem3A_210 : vector<16xi32>
    %ne3A_212 = arith.constant 0 : i32
    %ne3A_213 = vector.broadcast %ne3A_212 : i32 to vector<16xi32>
    %ne3A_214 = arith.cmpi ne, %rem3A_211, %ne3A_213 : vector<16xi32>
    %lt3A_215 = arith.constant 0 : i32
    %lt3A_216 = vector.broadcast %lt3A_215 : i32 to vector<16xi32>
    %lt3A_217 = arith.cmpi slt, %rem3A_211, %lt3A_216 : vector<16xi32>
    %lt3A_218 = arith.constant 0 : i32
    %lt3A_219 = arith.cmpi slt, %select_n3A_209, %lt3A_218 : i32
    %ne3A_220 = vector.broadcast %lt3A_219 : i1 to vector<16xi1>
    %ne3A_221 = vector.broadcast %ne3A_220 : vector<16xi1> to vector<16xi1>
    %ne3A_222 = arith.xori %lt3A_217, %ne3A_221 : vector<16xi1>
    %and3A_223 = arith.andi %ne3A_222, %ne3A_214 : vector<16xi1>
    %add3A_224 = vector.broadcast %select_n3A_209 : i32 to vector<16xi32>
    %add3A_225 = arith.addi %rem3A_211, %add3A_224 : vector<16xi32>
    %select_n3A_226 = arith.select %and3A_223, %add3A_225, %rem3A_211 : vector<16xi1>, vector<16xi32>
    %broadcast_in_dim3A_227 = vector.shape_cast %select_n3A_226 : vector<16xi32> to vector<16x1xi32>
    %gather3A_228 = vector.shape_cast %broadcast_in_dim3A_227 : vector<16x1xi32> to vector<16xi32>
    %gather3A_229 = tpu.dynamic_gather %add3A_201[%gather3A_228] in [0] : vector<16xf32>, vector<16xi32> -> vector<16xf32>
    %add3A_230 = arith.addf %add3A_201, %gather3A_229 : vector<16xf32>
    %add3A_231 = arith.constant 2 : i32
    %add3A_232 = vector.broadcast %add3A_231 : i32 to vector<16xi32>
    %add3A_233 = arith.addi %iota3A_172, %add3A_232 : vector<16xi32>
    %jit3A_234 = arith.constant 16 : i32
    %eq3A_235 = arith.constant 0 : i32
    %eq3A_236 = arith.cmpi eq, %jit3A_234, %eq3A_235 : i32
    %jit3A_237 = arith.constant 1 : i32
    %select_n3A_238 = arith.select %eq3A_236, %jit3A_237, %jit3A_234 : i32
    %rem3A_239 = vector.broadcast %select_n3A_238 : i32 to vector<16xi32>
    %rem3A_240 = arith.remsi %add3A_233, %rem3A_239 : vector<16xi32>
    %ne3A_241 = arith.constant 0 : i32
    %ne3A_242 = vector.broadcast %ne3A_241 : i32 to vector<16xi32>
    %ne3A_243 = arith.cmpi ne, %rem3A_240, %ne3A_242 : vector<16xi32>
    %lt3A_244 = arith.constant 0 : i32
    %lt3A_245 = vector.broadcast %lt3A_244 : i32 to vector<16xi32>
    %lt3A_246 = arith.cmpi slt, %rem3A_240, %lt3A_245 : vector<16xi32>
    %lt3A_247 = arith.constant 0 : i32
    %lt3A_248 = arith.cmpi slt, %select_n3A_238, %lt3A_247 : i32
    %ne3A_249 = vector.broadcast %lt3A_248 : i1 to vector<16xi1>
    %ne3A_250 = vector.broadcast %ne3A_249 : vector<16xi1> to vector<16xi1>
    %ne3A_251 = arith.xori %lt3A_246, %ne3A_250 : vector<16xi1>
    %and3A_252 = arith.andi %ne3A_251, %ne3A_243 : vector<16xi1>
    %add3A_253 = vector.broadcast %select_n3A_238 : i32 to vector<16xi32>
    %add3A_254 = arith.addi %rem3A_240, %add3A_253 : vector<16xi32>
    %select_n3A_255 = arith.select %and3A_252, %add3A_254, %rem3A_240 : vector<16xi1>, vector<16xi32>
    %broadcast_in_dim3A_256 = vector.shape_cast %select_n3A_255 : vector<16xi32> to vector<16x1xi32>
    %gather3A_257 = vector.shape_cast %broadcast_in_dim3A_256 : vector<16x1xi32> to vector<16xi32>
    %gather3A_258 = tpu.dynamic_gather %add3A_230[%gather3A_257] in [0] : vector<16xf32>, vector<16xi32> -> vector<16xf32>
    %add3A_259 = arith.addf %add3A_230, %gather3A_258 : vector<16xf32>
    %add3A_260 = arith.constant 1 : i32
    %add3A_261 = vector.broadcast %add3A_260 : i32 to vector<16xi32>
    %add3A_262 = arith.addi %iota3A_172, %add3A_261 : vector<16xi32>
    %jit3A_263 = arith.constant 16 : i32
    %eq3A_264 = arith.constant 0 : i32
    %eq3A_265 = arith.cmpi eq, %jit3A_263, %eq3A_264 : i32
    %jit3A_266 = arith.constant 1 : i32
    %select_n3A_267 = arith.select %eq3A_265, %jit3A_266, %jit3A_263 : i32
    %rem3A_268 = vector.broadcast %select_n3A_267 : i32 to vector<16xi32>
    %rem3A_269 = arith.remsi %add3A_262, %rem3A_268 : vector<16xi32>
    %ne3A_270 = arith.constant 0 : i32
    %ne3A_271 = vector.broadcast %ne3A_270 : i32 to vector<16xi32>
    %ne3A_272 = arith.cmpi ne, %rem3A_269, %ne3A_271 : vector<16xi32>
    %lt3A_273 = arith.constant 0 : i32
    %lt3A_274 = vector.broadcast %lt3A_273 : i32 to vector<16xi32>
    %lt3A_275 = arith.cmpi slt, %rem3A_269, %lt3A_274 : vector<16xi32>
    %lt3A_276 = arith.constant 0 : i32
    %lt3A_277 = arith.cmpi slt, %select_n3A_267, %lt3A_276 : i32
    %ne3A_278 = vector.broadcast %lt3A_277 : i1 to vector<16xi1>
    %ne3A_279 = vector.broadcast %ne3A_278 : vector<16xi1> to vector<16xi1>
    %ne3A_280 = arith.xori %lt3A_275, %ne3A_279 : vector<16xi1>
    %and3A_281 = arith.andi %ne3A_280, %ne3A_272 : vector<16xi1>
    %add3A_282 = vector.broadcast %select_n3A_267 : i32 to vector<16xi32>
    %add3A_283 = arith.addi %rem3A_269, %add3A_282 : vector<16xi32>
    %select_n3A_284 = arith.select %and3A_281, %add3A_283, %rem3A_269 : vector<16xi1>, vector<16xi32>
    %broadcast_in_dim3A_285 = vector.shape_cast %select_n3A_284 : vector<16xi32> to vector<16x1xi32>
    %gather3A_286 = vector.shape_cast %broadcast_in_dim3A_285 : vector<16x1xi32> to vector<16xi32>
    %gather3A_287 = tpu.dynamic_gather %add3A_259[%gather3A_286] in [0] : vector<16xf32>, vector<16xi32> -> vector<16xf32>
    %add3A_288 = arith.addf %add3A_259, %gather3A_287 : vector<16xf32>
    %select_n3A_289 = arith.select %eq3A_171, %add3A_288, %select_n3A_144 : vector<16xi1>, vector<16xf32>
    %get3A_290 = arith.constant 2 : i32
    %get3A_291 = arith.index_cast %get3A_290 : i32 to index
    %get3A_292 = arith.constant 0 : index
    %get3A_293 = tpu.vector_load %arg8[%get3A_291, %get3A_292] {strides = array<i32>} : memref<5x64xf32, #tpu.memory_space<vmem>>, vector<16xf32>,
    %mul3A_294 = arith.mulf %get3A_293, %get3A_293 : vector<16xf32>
    %add3A_295 = arith.addf %broadcast_in_dim3A_8, %mul3A_294 : vector<16xf32>
    %get3A_296 = arith.constant 2 : i32
    %get3A_297 = arith.index_cast %get3A_296 : i32 to index
    %get3A_298 = arith.constant 16 : index
    %get3A_299 = tpu.vector_load %arg8[%get3A_297, %get3A_298] {strides = array<i32>} : memref<5x64xf32, #tpu.memory_space<vmem>>, vector<16xf32>,
    %mul3A_300 = arith.mulf %get3A_299, %get3A_299 : vector<16xf32>
    %add3A_301 = arith.addf %add3A_295, %mul3A_300 : vector<16xf32>
    %get3A_302 = arith.constant 2 : i32
    %get3A_303 = arith.index_cast %get3A_302 : i32 to index
    %get3A_304 = arith.constant 32 : index
    %get3A_305 = tpu.vector_load %arg8[%get3A_303, %get3A_304] {strides = array<i32>} : memref<5x64xf32, #tpu.memory_space<vmem>>, vector<16xf32>,
    %mul3A_306 = arith.mulf %get3A_305, %get3A_305 : vector<16xf32>
    %add3A_307 = arith.addf %add3A_301, %mul3A_306 : vector<16xf32>
    %get3A_308 = arith.constant 2 : i32
    %get3A_309 = arith.index_cast %get3A_308 : i32 to index
    %get3A_310 = arith.constant 48 : index
    %get3A_311 = tpu.vector_load %arg8[%get3A_309, %get3A_310] {strides = array<i32>} : memref<5x64xf32, #tpu.memory_space<vmem>>, vector<16xf32>,
    %mul3A_312 = arith.mulf %get3A_311, %get3A_311 : vector<16xf32>
    %add3A_313 = arith.addf %add3A_307, %mul3A_312 : vector<16xf32>
    %eq3A_314 = arith.constant 2 : i32
    %eq3A_315 = vector.broadcast %eq3A_314 : i32 to vector<16xi32>
    %eq3A_316 = arith.cmpi eq, %iota3A, %eq3A_315 : vector<16xi32>
    %iota3A_317 = tpu.iota {dimensions = array<i32: 0>} : vector<16xi32>
    %add3A_318 = arith.constant 8 : i32
    %add3A_319 = vector.broadcast %add3A_318 : i32 to vector<16xi32>
    %add3A_320 = arith.addi %iota3A_317, %add3A_319 : vector<16xi32>
    %jit3A_321 = arith.constant 16 : i32
    %eq3A_322 = arith.constant 0 : i32
    %eq3A_323 = arith.cmpi eq, %jit3A_321, %eq3A_322 : i32
    %jit3A_324 = arith.constant 1 : i32
    %select_n3A_325 = arith.select %eq3A_323, %jit3A_324, %jit3A_321 : i32
    %rem3A_326 = vector.broadcast %select_n3A_325 : i32 to vector<16xi32>
    %rem3A_327 = arith.remsi %add3A_320, %rem3A_326 : vector<16xi32>
    %ne3A_328 = arith.constant 0 : i32
    %ne3A_329 = vector.broadcast %ne3A_328 : i32 to vector<16xi32>
    %ne3A_330 = arith.cmpi ne, %rem3A_327, %ne3A_329 : vector<16xi32>
    %lt3A_331 = arith.constant 0 : i32
    %lt3A_332 = vector.broadcast %lt3A_331 : i32 to vector<16xi32>
    %lt3A_333 = arith.cmpi slt, %rem3A_327, %lt3A_332 : vector<16xi32>
    %lt3A_334 = arith.constant 0 : i32
    %lt3A_335 = arith.cmpi slt, %select_n3A_325, %lt3A_334 : i32
    %ne3A_336 = vector.broadcast %lt3A_335 : i1 to vector<16xi1>
    %ne3A_337 = vector.broadcast %ne3A_336 : vector<16xi1> to vector<16xi1>
    %ne3A_338 = arith.xori %lt3A_333, %ne3A_337 : vector<16xi1>
    %and3A_339 = arith.andi %ne3A_338, %ne3A_330 : vector<16xi1>
    %add3A_340 = vector.broadcast %select_n3A_325 : i32 to vector<16xi32>
    %add3A_341 = arith.addi %rem3A_327, %add3A_340 : vector<16xi32>
    %select_n3A_342 = arith.select %and3A_339, %add3A_341, %rem3A_327 : vector<16xi1>, vector<16xi32>
    %broadcast_in_dim3A_343 = vector.shape_cast %select_n3A_342 : vector<16xi32> to vector<16x1xi32>
    %gather3A_344 = vector.shape_cast %broadcast_in_dim3A_343 : vector<16x1xi32> to vector<16xi32>
    %gather3A_345 = tpu.dynamic_gather %add3A_313[%gather3A_344] in [0] : vector<16xf32>, vector<16xi32> -> vector<16xf32>
    %add3A_346 = arith.addf %add3A_313, %gather3A_345 : vector<16xf32>
    %add3A_347 = arith.constant 4 : i32
    %add3A_348 = vector.broadcast %add3A_347 : i32 to vector<16xi32>
    %add3A_349 = arith.addi %iota3A_317, %add3A_348 : vector<16xi32>
    %jit3A_350 = arith.constant 16 : i32
    %eq3A_351 = arith.constant 0 : i32
    %eq3A_352 = arith.cmpi eq, %jit3A_350, %eq3A_351 : i32
    %jit3A_353 = arith.constant 1 : i32
    %select_n3A_354 = arith.select %eq3A_352, %jit3A_353, %jit3A_350 : i32
    %rem3A_355 = vector.broadcast %select_n3A_354 : i32 to vector<16xi32>
    %rem3A_356 = arith.remsi %add3A_349, %rem3A_355 : vector<16xi32>
    %ne3A_357 = arith.constant 0 : i32
    %ne3A_358 = vector.broadcast %ne3A_357 : i32 to vector<16xi32>
    %ne3A_359 = arith.cmpi ne, %rem3A_356, %ne3A_358 : vector<16xi32>
    %lt3A_360 = arith.constant 0 : i32
    %lt3A_361 = vector.broadcast %lt3A_360 : i32 to vector<16xi32>
    %lt3A_362 = arith.cmpi slt, %rem3A_356, %lt3A_361 : vector<16xi32>
    %lt3A_363 = arith.constant 0 : i32
    %lt3A_364 = arith.cmpi slt, %select_n3A_354, %lt3A_363 : i32
    %ne3A_365 = vector.broadcast %lt3A_364 : i1 to vector<16xi1>
    %ne3A_366 = vector.broadcast %ne3A_365 : vector<16xi1> to vector<16xi1>
    %ne3A_367 = arith.xori %lt3A_362, %ne3A_366 : vector<16xi1>
    %and3A_368 = arith.andi %ne3A_367, %ne3A_359 : vector<16xi1>
    %add3A_369 = vector.broadcast %select_n3A_354 : i32 to vector<16xi32>
    %add3A_370 = arith.addi %rem3A_356, %add3A_369 : vector<16xi32>
    %select_n3A_371 = arith.select %and3A_368, %add3A_370, %rem3A_356 : vector<16xi1>, vector<16xi32>
    %broadcast_in_dim3A_372 = vector.shape_cast %select_n3A_371 : vector<16xi32> to vector<16x1xi32>
    %gather3A_373 = vector.shape_cast %broadcast_in_dim3A_372 : vector<16x1xi32> to vector<16xi32>
    %gather3A_374 = tpu.dynamic_gather %add3A_346[%gather3A_373] in [0] : vector<16xf32>, vector<16xi32> -> vector<16xf32>
    %add3A_375 = arith.addf %add3A_346, %gather3A_374 : vector<16xf32>
    %add3A_376 = arith.constant 2 : i32
    %add3A_377 = vector.broadcast %add3A_376 : i32 to vector<16xi32>
    %add3A_378 = arith.addi %iota3A_317, %add3A_377 : vector<16xi32>
    %jit3A_379 = arith.constant 16 : i32
    %eq3A_380 = arith.constant 0 : i32
    %eq3A_381 = arith.cmpi eq, %jit3A_379, %eq3A_380 : i32
    %jit3A_382 = arith.constant 1 : i32
    %select_n3A_383 = arith.select %eq3A_381, %jit3A_382, %jit3A_379 : i32
    %rem3A_384 = vector.broadcast %select_n3A_383 : i32 to vector<16xi32>
    %rem3A_385 = arith.remsi %add3A_378, %rem3A_384 : vector<16xi32>
    %ne3A_386 = arith.constant 0 : i32
    %ne3A_387 = vector.broadcast %ne3A_386 : i32 to vector<16xi32>
    %ne3A_388 = arith.cmpi ne, %rem3A_385, %ne3A_387 : vector<16xi32>
    %lt3A_389 = arith.constant 0 : i32
    %lt3A_390 = vector.broadcast %lt3A_389 : i32 to vector<16xi32>
    %lt3A_391 = arith.cmpi slt, %rem3A_385, %lt3A_390 : vector<16xi32>
    %lt3A_392 = arith.constant 0 : i32
    %lt3A_393 = arith.cmpi slt, %select_n3A_383, %lt3A_392 : i32
    %ne3A_394 = vector.broadcast %lt3A_393 : i1 to vector<16xi1>
    %ne3A_395 = vector.broadcast %ne3A_394 : vector<16xi1> to vector<16xi1>
    %ne3A_396 = arith.xori %lt3A_391, %ne3A_395 : vector<16xi1>
    %and3A_397 = arith.andi %ne3A_396, %ne3A_388 : vector<16xi1>
    %add3A_398 = vector.broadcast %select_n3A_383 : i32 to vector<16xi32>
    %add3A_399 = arith.addi %rem3A_385, %add3A_398 : vector<16xi32>
    %select_n3A_400 = arith.select %and3A_397, %add3A_399, %rem3A_385 : vector<16xi1>, vector<16xi32>
    %broadcast_in_dim3A_401 = vector.shape_cast %select_n3A_400 : vector<16xi32> to vector<16x1xi32>
    %gather3A_402 = vector.shape_cast %broadcast_in_dim3A_401 : vector<16x1xi32> to vector<16xi32>
    %gather3A_403 = tpu.dynamic_gather %add3A_375[%gather3A_402] in [0] : vector<16xf32>, vector<16xi32> -> vector<16xf32>
    %add3A_404 = arith.addf %add3A_375, %gather3A_403 : vector<16xf32>
    %add3A_405 = arith.constant 1 : i32
    %add3A_406 = vector.broadcast %add3A_405 : i32 to vector<16xi32>
    %add3A_407 = arith.addi %iota3A_317, %add3A_406 : vector<16xi32>
    %jit3A_408 = arith.constant 16 : i32
    %eq3A_409 = arith.constant 0 : i32
    %eq3A_410 = arith.cmpi eq, %jit3A_408, %eq3A_409 : i32
    %jit3A_411 = arith.constant 1 : i32
    %select_n3A_412 = arith.select %eq3A_410, %jit3A_411, %jit3A_408 : i32
    %rem3A_413 = vector.broadcast %select_n3A_412 : i32 to vector<16xi32>
    %rem3A_414 = arith.remsi %add3A_407, %rem3A_413 : vector<16xi32>
    %ne3A_415 = arith.constant 0 : i32
    %ne3A_416 = vector.broadcast %ne3A_415 : i32 to vector<16xi32>
    %ne3A_417 = arith.cmpi ne, %rem3A_414, %ne3A_416 : vector<16xi32>
    %lt3A_418 = arith.constant 0 : i32
    %lt3A_419 = vector.broadcast %lt3A_418 : i32 to vector<16xi32>
    %lt3A_420 = arith.cmpi slt, %rem3A_414, %lt3A_419 : vector<16xi32>
    %lt3A_421 = arith.constant 0 : i32
    %lt3A_422 = arith.cmpi slt, %select_n3A_412, %lt3A_421 : i32
    %ne3A_423 = vector.broadcast %lt3A_422 : i1 to vector<16xi1>
    %ne3A_424 = vector.broadcast %ne3A_423 : vector<16xi1> to vector<16xi1>
    %ne3A_425 = arith.xori %lt3A_420, %ne3A_424 : vector<16xi1>
    %and3A_426 = arith.andi %ne3A_425, %ne3A_417 : vector<16xi1>
    %add3A_427 = vector.broadcast %select_n3A_412 : i32 to vector<16xi32>
    %add3A_428 = arith.addi %rem3A_414, %add3A_427 : vector<16xi32>
    %select_n3A_429 = arith.select %and3A_426, %add3A_428, %rem3A_414 : vector<16xi1>, vector<16xi32>
    %broadcast_in_dim3A_430 = vector.shape_cast %select_n3A_429 : vector<16xi32> to vector<16x1xi32>
    %gather3A_431 = vector.shape_cast %broadcast_in_dim3A_430 : vector<16x1xi32> to vector<16xi32>
    %gather3A_432 = tpu.dynamic_gather %add3A_404[%gather3A_431] in [0] : vector<16xf32>, vector<16xi32> -> vector<16xf32>
    %add3A_433 = arith.addf %add3A_404, %gather3A_432 : vector<16xf32>
    %select_n3A_434 = arith.select %eq3A_316, %add3A_433, %select_n3A_289 : vector<16xi1>, vector<16xf32>
    %get3A_435 = arith.constant 3 : i32
    %get3A_436 = arith.index_cast %get3A_435 : i32 to index
    %get3A_437 = arith.constant 0 : index
    %get3A_438 = tpu.vector_load %arg8[%get3A_436, %get3A_437] {strides = array<i32>} : memref<5x64xf32, #tpu.memory_space<vmem>>, vector<16xf32>,
    %mul3A_439 = arith.mulf %get3A_438, %get3A_438 : vector<16xf32>
    %add3A_440 = arith.addf %broadcast_in_dim3A_8, %mul3A_439 : vector<16xf32>
    %get3A_441 = arith.constant 3 : i32
    %get3A_442 = arith.index_cast %get3A_441 : i32 to index
    %get3A_443 = arith.constant 16 : index
    %get3A_444 = tpu.vector_load %arg8[%get3A_442, %get3A_443] {strides = array<i32>} : memref<5x64xf32, #tpu.memory_space<vmem>>, vector<16xf32>,
    %mul3A_445 = arith.mulf %get3A_444, %get3A_444 : vector<16xf32>
    %add3A_446 = arith.addf %add3A_440, %mul3A_445 : vector<16xf32>
    %get3A_447 = arith.constant 3 : i32
    %get3A_448 = arith.index_cast %get3A_447 : i32 to index
    %get3A_449 = arith.constant 32 : index
    %get3A_450 = tpu.vector_load %arg8[%get3A_448, %get3A_449] {strides = array<i32>} : memref<5x64xf32, #tpu.memory_space<vmem>>, vector<16xf32>,
    %mul3A_451 = arith.mulf %get3A_450, %get3A_450 : vector<16xf32>
    %add3A_452 = arith.addf %add3A_446, %mul3A_451 : vector<16xf32>
    %get3A_453 = arith.constant 3 : i32
    %get3A_454 = arith.index_cast %get3A_453 : i32 to index
    %get3A_455 = arith.constant 48 : index
    %get3A_456 = tpu.vector_load %arg8[%get3A_454, %get3A_455] {strides = array<i32>} : memref<5x64xf32, #tpu.memory_space<vmem>>, vector<16xf32>,
    %mul3A_457 = arith.mulf %get3A_456, %get3A_456 : vector<16xf32>
    %add3A_458 = arith.addf %add3A_452, %mul3A_457 : vector<16xf32>
    %eq3A_459 = arith.constant 3 : i32
    %eq3A_460 = vector.broadcast %eq3A_459 : i32 to vector<16xi32>
    %eq3A_461 = arith.cmpi eq, %iota3A, %eq3A_460 : vector<16xi32>
    %iota3A_462 = tpu.iota {dimensions = array<i32: 0>} : vector<16xi32>
    %add3A_463 = arith.constant 8 : i32
    %add3A_464 = vector.broadcast %add3A_463 : i32 to vector<16xi32>
    %add3A_465 = arith.addi %iota3A_462, %add3A_464 : vector<16xi32>
    %jit3A_466 = arith.constant 16 : i32
    %eq3A_467 = arith.constant 0 : i32
    %eq3A_468 = arith.cmpi eq, %jit3A_466, %eq3A_467 : i32
    %jit3A_469 = arith.constant 1 : i32
    %select_n3A_470 = arith.select %eq3A_468, %jit3A_469, %jit3A_466 : i32
    %rem3A_471 = vector.broadcast %select_n3A_470 : i32 to vector<16xi32>
    %rem3A_472 = arith.remsi %add3A_465, %rem3A_471 : vector<16xi32>
    %ne3A_473 = arith.constant 0 : i32
    %ne3A_474 = vector.broadcast %ne3A_473 : i32 to vector<16xi32>
    %ne3A_475 = arith.cmpi ne, %rem3A_472, %ne3A_474 : vector<16xi32>
    %lt3A_476 = arith.constant 0 : i32
    %lt3A_477 = vector.broadcast %lt3A_476 : i32 to vector<16xi32>
    %lt3A_478 = arith.cmpi slt, %rem3A_472, %lt3A_477 : vector<16xi32>
    %lt3A_479 = arith.constant 0 : i32
    %lt3A_480 = arith.cmpi slt, %select_n3A_470, %lt3A_479 : i32
    %ne3A_481 = vector.broadcast %lt3A_480 : i1 to vector<16xi1>
    %ne3A_482 = vector.broadcast %ne3A_481 : vector<16xi1> to vector<16xi1>
    %ne3A_483 = arith.xori %lt3A_478, %ne3A_482 : vector<16xi1>
    %and3A_484 = arith.andi %ne3A_483, %ne3A_475 : vector<16xi1>
    %add3A_485 = vector.broadcast %select_n3A_470 : i32 to vector<16xi32>
    %add3A_486 = arith.addi %rem3A_472, %add3A_485 : vector<16xi32>
    %select_n3A_487 = arith.select %and3A_484, %add3A_486, %rem3A_472 : vector<16xi1>, vector<16xi32>
    %broadcast_in_dim3A_488 = vector.shape_cast %select_n3A_487 : vector<16xi32> to vector<16x1xi32>
    %gather3A_489 = vector.shape_cast %broadcast_in_dim3A_488 : vector<16x1xi32> to vector<16xi32>
    %gather3A_490 = tpu.dynamic_gather %add3A_458[%gather3A_489] in [0] : vector<16xf32>, vector<16xi32> -> vector<16xf32>
    %add3A_491 = arith.addf %add3A_458, %gather3A_490 : vector<16xf32>
    %add3A_492 = arith.constant 4 : i32
    %add3A_493 = vector.broadcast %add3A_492 : i32 to vector<16xi32>
    %add3A_494 = arith.addi %iota3A_462, %add3A_493 : vector<16xi32>
    %jit3A_495 = arith.constant 16 : i32
    %eq3A_496 = arith.constant 0 : i32
    %eq3A_497 = arith.cmpi eq, %jit3A_495, %eq3A_496 : i32
    %jit3A_498 = arith.constant 1 : i32
    %select_n3A_499 = arith.select %eq3A_497, %jit3A_498, %jit3A_495 : i32
    %rem3A_500 = vector.broadcast %select_n3A_499 : i32 to vector<16xi32>
    %rem3A_501 = arith.remsi %add3A_494, %rem3A_500 : vector<16xi32>
    %ne3A_502 = arith.constant 0 : i32
    %ne3A_503 = vector.broadcast %ne3A_502 : i32 to vector<16xi32>
    %ne3A_504 = arith.cmpi ne, %rem3A_501, %ne3A_503 : vector<16xi32>
    %lt3A_505 = arith.constant 0 : i32
    %lt3A_506 = vector.broadcast %lt3A_505 : i32 to vector<16xi32>
    %lt3A_507 = arith.cmpi slt, %rem3A_501, %lt3A_506 : vector<16xi32>
    %lt3A_508 = arith.constant 0 : i32
    %lt3A_509 = arith.cmpi slt, %select_n3A_499, %lt3A_508 : i32
    %ne3A_510 = vector.broadcast %lt3A_509 : i1 to vector<16xi1>
    %ne3A_511 = vector.broadcast %ne3A_510 : vector<16xi1> to vector<16xi1>
    %ne3A_512 = arith.xori %lt3A_507, %ne3A_511 : vector<16xi1>
    %and3A_513 = arith.andi %ne3A_512, %ne3A_504 : vector<16xi1>
    %add3A_514 = vector.broadcast %select_n3A_499 : i32 to vector<16xi32>
    %add3A_515 = arith.addi %rem3A_501, %add3A_514 : vector<16xi32>
    %select_n3A_516 = arith.select %and3A_513, %add3A_515, %rem3A_501 : vector<16xi1>, vector<16xi32>
    %broadcast_in_dim3A_517 = vector.shape_cast %select_n3A_516 : vector<16xi32> to vector<16x1xi32>
    %gather3A_518 = vector.shape_cast %broadcast_in_dim3A_517 : vector<16x1xi32> to vector<16xi32>
    %gather3A_519 = tpu.dynamic_gather %add3A_491[%gather3A_518] in [0] : vector<16xf32>, vector<16xi32> -> vector<16xf32>
    %add3A_520 = arith.addf %add3A_491, %gather3A_519 : vector<16xf32>
    %add3A_521 = arith.constant 2 : i32
    %add3A_522 = vector.broadcast %add3A_521 : i32 to vector<16xi32>
    %add3A_523 = arith.addi %iota3A_462, %add3A_522 : vector<16xi32>
    %jit3A_524 = arith.constant 16 : i32
    %eq3A_525 = arith.constant 0 : i32
    %eq3A_526 = arith.cmpi eq, %jit3A_524, %eq3A_525 : i32
    %jit3A_527 = arith.constant 1 : i32
    %select_n3A_528 = arith.select %eq3A_526, %jit3A_527, %jit3A_524 : i32
    %rem3A_529 = vector.broadcast %select_n3A_528 : i32 to vector<16xi32>
    %rem3A_530 = arith.remsi %add3A_523, %rem3A_529 : vector<16xi32>
    %ne3A_531 = arith.constant 0 : i32
    %ne3A_532 = vector.broadcast %ne3A_531 : i32 to vector<16xi32>
    %ne3A_533 = arith.cmpi ne, %rem3A_530, %ne3A_532 : vector<16xi32>
    %lt3A_534 = arith.constant 0 : i32
    %lt3A_535 = vector.broadcast %lt3A_534 : i32 to vector<16xi32>
    %lt3A_536 = arith.cmpi slt, %rem3A_530, %lt3A_535 : vector<16xi32>
    %lt3A_537 = arith.constant 0 : i32
    %lt3A_538 = arith.cmpi slt, %select_n3A_528, %lt3A_537 : i32
    %ne3A_539 = vector.broadcast %lt3A_538 : i1 to vector<16xi1>
    %ne3A_540 = vector.broadcast %ne3A_539 : vector<16xi1> to vector<16xi1>
    %ne3A_541 = arith.xori %lt3A_536, %ne3A_540 : vector<16xi1>
    %and3A_542 = arith.andi %ne3A_541, %ne3A_533 : vector<16xi1>
    %add3A_543 = vector.broadcast %select_n3A_528 : i32 to vector<16xi32>
    %add3A_544 = arith.addi %rem3A_530, %add3A_543 : vector<16xi32>
    %select_n3A_545 = arith.select %and3A_542, %add3A_544, %rem3A_530 : vector<16xi1>, vector<16xi32>
    %broadcast_in_dim3A_546 = vector.shape_cast %select_n3A_545 : vector<16xi32> to vector<16x1xi32>
    %gather3A_547 = vector.shape_cast %broadcast_in_dim3A_546 : vector<16x1xi32> to vector<16xi32>
    %gather3A_548 = tpu.dynamic_gather %add3A_520[%gather3A_547] in [0] : vector<16xf32>, vector<16xi32> -> vector<16xf32>
    %add3A_549 = arith.addf %add3A_520, %gather3A_548 : vector<16xf32>
    %add3A_550 = arith.constant 1 : i32
    %add3A_551 = vector.broadcast %add3A_550 : i32 to vector<16xi32>
    %add3A_552 = arith.addi %iota3A_462, %add3A_551 : vector<16xi32>
    %jit3A_553 = arith.constant 16 : i32
    %eq3A_554 = arith.constant 0 : i32
    %eq3A_555 = arith.cmpi eq, %jit3A_553, %eq3A_554 : i32
    %jit3A_556 = arith.constant 1 : i32
    %select_n3A_557 = arith.select %eq3A_555, %jit3A_556, %jit3A_553 : i32
    %rem3A_558 = vector.broadcast %select_n3A_557 : i32 to vector<16xi32>
    %rem3A_559 = arith.remsi %add3A_552, %rem3A_558 : vector<16xi32>
    %ne3A_560 = arith.constant 0 : i32
    %ne3A_561 = vector.broadcast %ne3A_560 : i32 to vector<16xi32>
    %ne3A_562 = arith.cmpi ne, %rem3A_559, %ne3A_561 : vector<16xi32>
    %lt3A_563 = arith.constant 0 : i32
    %lt3A_564 = vector.broadcast %lt3A_563 : i32 to vector<16xi32>
    %lt3A_565 = arith.cmpi slt, %rem3A_559, %lt3A_564 : vector<16xi32>
    %lt3A_566 = arith.constant 0 : i32
    %lt3A_567 = arith.cmpi slt, %select_n3A_557, %lt3A_566 : i32
    %ne3A_568 = vector.broadcast %lt3A_567 : i1 to vector<16xi1>
    %ne3A_569 = vector.broadcast %ne3A_568 : vector<16xi1> to vector<16xi1>
    %ne3A_570 = arith.xori %lt3A_565, %ne3A_569 : vector<16xi1>
    %and3A_571 = arith.andi %ne3A_570, %ne3A_562 : vector<16xi1>
    %add3A_572 = vector.broadcast %select_n3A_557 : i32 to vector<16xi32>
    %add3A_573 = arith.addi %rem3A_559, %add3A_572 : vector<16xi32>
    %select_n3A_574 = arith.select %and3A_571, %add3A_573, %rem3A_559 : vector<16xi1>, vector<16xi32>
    %broadcast_in_dim3A_575 = vector.shape_cast %select_n3A_574 : vector<16xi32> to vector<16x1xi32>
    %gather3A_576 = vector.shape_cast %broadcast_in_dim3A_575 : vector<16x1xi32> to vector<16xi32>
    %gather3A_577 = tpu.dynamic_gather %add3A_549[%gather3A_576] in [0] : vector<16xf32>, vector<16xi32> -> vector<16xf32>
    %add3A_578 = arith.addf %add3A_549, %gather3A_577 : vector<16xf32>
    %select_n3A_579 = arith.select %eq3A_461, %add3A_578, %select_n3A_434 : vector<16xi1>, vector<16xf32>
    %get3A_580 = arith.constant 4 : i32
    %get3A_581 = arith.index_cast %get3A_580 : i32 to index
    %get3A_582 = arith.constant 0 : index
    %get3A_583 = tpu.vector_load %arg8[%get3A_581, %get3A_582] {strides = array<i32>} : memref<5x64xf32, #tpu.memory_space<vmem>>, vector<16xf32>,
    %mul3A_584 = arith.mulf %get3A_583, %get3A_583 : vector<16xf32>
    %add3A_585 = arith.addf %broadcast_in_dim3A_8, %mul3A_584 : vector<16xf32>
    %get3A_586 = arith.constant 4 : i32
    %get3A_587 = arith.index_cast %get3A_586 : i32 to index
    %get3A_588 = arith.constant 16 : index
    %get3A_589 = tpu.vector_load %arg8[%get3A_587, %get3A_588] {strides = array<i32>} : memref<5x64xf32, #tpu.memory_space<vmem>>, vector<16xf32>,
    %mul3A_590 = arith.mulf %get3A_589, %get3A_589 : vector<16xf32>
    %add3A_591 = arith.addf %add3A_585, %mul3A_590 : vector<16xf32>
    %get3A_592 = arith.constant 4 : i32
    %get3A_593 = arith.index_cast %get3A_592 : i32 to index
    %get3A_594 = arith.constant 32 : index
    %get3A_595 = tpu.vector_load %arg8[%get3A_593, %get3A_594] {strides = array<i32>} : memref<5x64xf32, #tpu.memory_space<vmem>>, vector<16xf32>,
    %mul3A_596 = arith.mulf %get3A_595, %get3A_595 : vector<16xf32>
    %add3A_597 = arith.addf %add3A_591, %mul3A_596 : vector<16xf32>
    %get3A_598 = arith.constant 4 : i32
    %get3A_599 = arith.index_cast %get3A_598 : i32 to index
    %get3A_600 = arith.constant 48 : index
    %get3A_601 = tpu.vector_load %arg8[%get3A_599, %get3A_600] {strides = array<i32>} : memref<5x64xf32, #tpu.memory_space<vmem>>, vector<16xf32>,
    %mul3A_602 = arith.mulf %get3A_601, %get3A_601 : vector<16xf32>
    %add3A_603 = arith.addf %add3A_597, %mul3A_602 : vector<16xf32>
    %eq3A_604 = arith.constant 4 : i32
    %eq3A_605 = vector.broadcast %eq3A_604 : i32 to vector<16xi32>
    %eq3A_606 = arith.cmpi eq, %iota3A, %eq3A_605 : vector<16xi32>
    %iota3A_607 = tpu.iota {dimensions = array<i32: 0>} : vector<16xi32>
    %add3A_608 = arith.constant 8 : i32
    %add3A_609 = vector.broadcast %add3A_608 : i32 to vector<16xi32>
    %add3A_610 = arith.addi %iota3A_607, %add3A_609 : vector<16xi32>
    %jit3A_611 = arith.constant 16 : i32
    %eq3A_612 = arith.constant 0 : i32
    %eq3A_613 = arith.cmpi eq, %jit3A_611, %eq3A_612 : i32
    %jit3A_614 = arith.constant 1 : i32
    %select_n3A_615 = arith.select %eq3A_613, %jit3A_614, %jit3A_611 : i32
    %rem3A_616 = vector.broadcast %select_n3A_615 : i32 to vector<16xi32>
    %rem3A_617 = arith.remsi %add3A_610, %rem3A_616 : vector<16xi32>
    %ne3A_618 = arith.constant 0 : i32
    %ne3A_619 = vector.broadcast %ne3A_618 : i32 to vector<16xi32>
    %ne3A_620 = arith.cmpi ne, %rem3A_617, %ne3A_619 : vector<16xi32>
    %lt3A_621 = arith.constant 0 : i32
    %lt3A_622 = vector.broadcast %lt3A_621 : i32 to vector<16xi32>
    %lt3A_623 = arith.cmpi slt, %rem3A_617, %lt3A_622 : vector<16xi32>
    %lt3A_624 = arith.constant 0 : i32
    %lt3A_625 = arith.cmpi slt, %select_n3A_615, %lt3A_624 : i32
    %ne3A_626 = vector.broadcast %lt3A_625 : i1 to vector<16xi1>
    %ne3A_627 = vector.broadcast %ne3A_626 : vector<16xi1> to vector<16xi1>
    %ne3A_628 = arith.xori %lt3A_623, %ne3A_627 : vector<16xi1>
    %and3A_629 = arith.andi %ne3A_628, %ne3A_620 : vector<16xi1>
    %add3A_630 = vector.broadcast %select_n3A_615 : i32 to vector<16xi32>
    %add3A_631 = arith.addi %rem3A_617, %add3A_630 : vector<16xi32>
    %select_n3A_632 = arith.select %and3A_629, %add3A_631, %rem3A_617 : vector<16xi1>, vector<16xi32>
    %broadcast_in_dim3A_633 = vector.shape_cast %select_n3A_632 : vector<16xi32> to vector<16x1xi32>
    %gather3A_634 = vector.shape_cast %broadcast_in_dim3A_633 : vector<16x1xi32> to vector<16xi32>
    %gather3A_635 = tpu.dynamic_gather %add3A_603[%gather3A_634] in [0] : vector<16xf32>, vector<16xi32> -> vector<16xf32>
    %add3A_636 = arith.addf %add3A_603, %gather3A_635 : vector<16xf32>
    %add3A_637 = arith.constant 4 : i32
    %add3A_638 = vector.broadcast %add3A_637 : i32 to vector<16xi32>
    %add3A_639 = arith.addi %iota3A_607, %add3A_638 : vector<16xi32>
    %jit3A_640 = arith.constant 16 : i32
    %eq3A_641 = arith.constant 0 : i32
    %eq3A_642 = arith.cmpi eq, %jit3A_640, %eq3A_641 : i32
    %jit3A_643 = arith.constant 1 : i32
    %select_n3A_644 = arith.select %eq3A_642, %jit3A_643, %jit3A_640 : i32
    %rem3A_645 = vector.broadcast %select_n3A_644 : i32 to vector<16xi32>
    %rem3A_646 = arith.remsi %add3A_639, %rem3A_645 : vector<16xi32>
    %ne3A_647 = arith.constant 0 : i32
    %ne3A_648 = vector.broadcast %ne3A_647 : i32 to vector<16xi32>
    %ne3A_649 = arith.cmpi ne, %rem3A_646, %ne3A_648 : vector<16xi32>
    %lt3A_650 = arith.constant 0 : i32
    %lt3A_651 = vector.broadcast %lt3A_650 : i32 to vector<16xi32>
    %lt3A_652 = arith.cmpi slt, %rem3A_646, %lt3A_651 : vector<16xi32>
    %lt3A_653 = arith.constant 0 : i32
    %lt3A_654 = arith.cmpi slt, %select_n3A_644, %lt3A_653 : i32
    %ne3A_655 = vector.broadcast %lt3A_654 : i1 to vector<16xi1>
    %ne3A_656 = vector.broadcast %ne3A_655 : vector<16xi1> to vector<16xi1>
    %ne3A_657 = arith.xori %lt3A_652, %ne3A_656 : vector<16xi1>
    %and3A_658 = arith.andi %ne3A_657, %ne3A_649 : vector<16xi1>
    %add3A_659 = vector.broadcast %select_n3A_644 : i32 to vector<16xi32>
    %add3A_660 = arith.addi %rem3A_646, %add3A_659 : vector<16xi32>
    %select_n3A_661 = arith.select %and3A_658, %add3A_660, %rem3A_646 : vector<16xi1>, vector<16xi32>
    %broadcast_in_dim3A_662 = vector.shape_cast %select_n3A_661 : vector<16xi32> to vector<16x1xi32>
    %gather3A_663 = vector.shape_cast %broadcast_in_dim3A_662 : vector<16x1xi32> to vector<16xi32>
    %gather3A_664 = tpu.dynamic_gather %add3A_636[%gather3A_663] in [0] : vector<16xf32>, vector<16xi32> -> vector<16xf32>
    %add3A_665 = arith.addf %add3A_636, %gather3A_664 : vector<16xf32>
    %add3A_666 = arith.constant 2 : i32
    %add3A_667 = vector.broadcast %add3A_666 : i32 to vector<16xi32>
    %add3A_668 = arith.addi %iota3A_607, %add3A_667 : vector<16xi32>
    %jit3A_669 = arith.constant 16 : i32
    %eq3A_670 = arith.constant 0 : i32
    %eq3A_671 = arith.cmpi eq, %jit3A_669, %eq3A_670 : i32
    %jit3A_672 = arith.constant 1 : i32
    %select_n3A_673 = arith.select %eq3A_671, %jit3A_672, %jit3A_669 : i32
    %rem3A_674 = vector.broadcast %select_n3A_673 : i32 to vector<16xi32>
    %rem3A_675 = arith.remsi %add3A_668, %rem3A_674 : vector<16xi32>
    %ne3A_676 = arith.constant 0 : i32
    %ne3A_677 = vector.broadcast %ne3A_676 : i32 to vector<16xi32>
    %ne3A_678 = arith.cmpi ne, %rem3A_675, %ne3A_677 : vector<16xi32>
    %lt3A_679 = arith.constant 0 : i32
    %lt3A_680 = vector.broadcast %lt3A_679 : i32 to vector<16xi32>
    %lt3A_681 = arith.cmpi slt, %rem3A_675, %lt3A_680 : vector<16xi32>
    %lt3A_682 = arith.constant 0 : i32
    %lt3A_683 = arith.cmpi slt, %select_n3A_673, %lt3A_682 : i32
    %ne3A_684 = vector.broadcast %lt3A_683 : i1 to vector<16xi1>
    %ne3A_685 = vector.broadcast %ne3A_684 : vector<16xi1> to vector<16xi1>
    %ne3A_686 = arith.xori %lt3A_681, %ne3A_685 : vector<16xi1>
    %and3A_687 = arith.andi %ne3A_686, %ne3A_678 : vector<16xi1>
    %add3A_688 = vector.broadcast %select_n3A_673 : i32 to vector<16xi32>
    %add3A_689 = arith.addi %rem3A_675, %add3A_688 : vector<16xi32>
    %select_n3A_690 = arith.select %and3A_687, %add3A_689, %rem3A_675 : vector<16xi1>, vector<16xi32>
    %broadcast_in_dim3A_691 = vector.shape_cast %select_n3A_690 : vector<16xi32> to vector<16x1xi32>
    %gather3A_692 = vector.shape_cast %broadcast_in_dim3A_691 : vector<16x1xi32> to vector<16xi32>
    %gather3A_693 = tpu.dynamic_gather %add3A_665[%gather3A_692] in [0] : vector<16xf32>, vector<16xi32> -> vector<16xf32>
    %add3A_694 = arith.addf %add3A_665, %gather3A_693 : vector<16xf32>
    %add3A_695 = arith.constant 1 : i32
    %add3A_696 = vector.broadcast %add3A_695 : i32 to vector<16xi32>
    %add3A_697 = arith.addi %iota3A_607, %add3A_696 : vector<16xi32>
    %jit3A_698 = arith.constant 16 : i32
    %eq3A_699 = arith.constant 0 : i32
    %eq3A_700 = arith.cmpi eq, %jit3A_698, %eq3A_699 : i32
    %jit3A_701 = arith.constant 1 : i32
    %select_n3A_702 = arith.select %eq3A_700, %jit3A_701, %jit3A_698 : i32
    %rem3A_703 = vector.broadcast %select_n3A_702 : i32 to vector<16xi32>
    %rem3A_704 = arith.remsi %add3A_697, %rem3A_703 : vector<16xi32>
    %ne3A_705 = arith.constant 0 : i32
    %ne3A_706 = vector.broadcast %ne3A_705 : i32 to vector<16xi32>
    %ne3A_707 = arith.cmpi ne, %rem3A_704, %ne3A_706 : vector<16xi32>
    %lt3A_708 = arith.constant 0 : i32
    %lt3A_709 = vector.broadcast %lt3A_708 : i32 to vector<16xi32>
    %lt3A_710 = arith.cmpi slt, %rem3A_704, %lt3A_709 : vector<16xi32>
    %lt3A_711 = arith.constant 0 : i32
    %lt3A_712 = arith.cmpi slt, %select_n3A_702, %lt3A_711 : i32
    %ne3A_713 = vector.broadcast %lt3A_712 : i1 to vector<16xi1>
    %ne3A_714 = vector.broadcast %ne3A_713 : vector<16xi1> to vector<16xi1>
    %ne3A_715 = arith.xori %lt3A_710, %ne3A_714 : vector<16xi1>
    %and3A_716 = arith.andi %ne3A_715, %ne3A_707 : vector<16xi1>
    %add3A_717 = vector.broadcast %select_n3A_702 : i32 to vector<16xi32>
    %add3A_718 = arith.addi %rem3A_704, %add3A_717 : vector<16xi32>
    %select_n3A_719 = arith.select %and3A_716, %add3A_718, %rem3A_704 : vector<16xi1>, vector<16xi32>
    %broadcast_in_dim3A_720 = vector.shape_cast %select_n3A_719 : vector<16xi32> to vector<16x1xi32>
    %gather3A_721 = vector.shape_cast %broadcast_in_dim3A_720 : vector<16x1xi32> to vector<16xi32>
    %gather3A_722 = tpu.dynamic_gather %add3A_694[%gather3A_721] in [0] : vector<16xf32>, vector<16xi32> -> vector<16xf32>
    %add3A_723 = arith.addf %add3A_694, %gather3A_722 : vector<16xf32>
    %select_n3A_724 = arith.select %eq3A_606, %add3A_723, %select_n3A_579 : vector<16xi1>, vector<16xf32>
    %swap3A = arith.constant 0 : index
    %swap3A_725 = tpu.vector_load %arg9[%swap3A] {strides = array<i32>} : memref<16xf32, #tpu.memory_space<vmem>>, vector<16xf32>,
    tpu.vector_store %arg9[%swap3A], %select_n3A_724 {strides = array<i32>} : memref<16xf32, #tpu.memory_space<vmem>>, vector<16xf32>,
    %swap3A_726 = arith.constant 0 : index
    %swap3A_727 = tpu.vector_load %arg10[%swap3A_726] {strides = array<i32>} : memref<320xf32, #tpu.memory_space<vmem>>, vector<16xf32>,
    tpu.vector_store %arg10[%swap3A_726], %broadcast_in_dim3A_8 {strides = array<i32>} : memref<320xf32, #tpu.memory_space<vmem>>, vector<16xf32>,
    %swap3A_728 = arith.constant 16 : index
    %swap3A_729 = tpu.vector_load %arg10[%swap3A_728] {strides = array<i32>} : memref<320xf32, #tpu.memory_space<vmem>>, vector<16xf32>,
    tpu.vector_store %arg10[%swap3A_728], %broadcast_in_dim3A_8 {strides = array<i32>} : memref<320xf32, #tpu.memory_space<vmem>>, vector<16xf32>,
    %swap3A_730 = arith.constant 32 : index
    %swap3A_731 = tpu.vector_load %arg10[%swap3A_730] {strides = array<i32>} : memref<320xf32, #tpu.memory_space<vmem>>, vector<16xf32>,
    tpu.vector_store %arg10[%swap3A_730], %broadcast_in_dim3A_8 {strides = array<i32>} : memref<320xf32, #tpu.memory_space<vmem>>, vector<16xf32>,
    %swap3A_732 = arith.constant 48 : index
    %swap3A_733 = tpu.vector_load %arg10[%swap3A_732] {strides = array<i32>} : memref<320xf32, #tpu.memory_space<vmem>>, vector<16xf32>,
    tpu.vector_store %arg10[%swap3A_732], %broadcast_in_dim3A_8 {strides = array<i32>} : memref<320xf32, #tpu.memory_space<vmem>>, vector<16xf32>,
    %swap3A_734 = arith.constant 64 : index
    %swap3A_735 = tpu.vector_load %arg10[%swap3A_734] {strides = array<i32>} : memref<320xf32, #tpu.memory_space<vmem>>, vector<16xf32>,
    tpu.vector_store %arg10[%swap3A_734], %broadcast_in_dim3A_8 {strides = array<i32>} : memref<320xf32, #tpu.memory_space<vmem>>, vector<16xf32>,
    %swap3A_736 = arith.constant 80 : index
    %swap3A_737 = tpu.vector_load %arg10[%swap3A_736] {strides = array<i32>} : memref<320xf32, #tpu.memory_space<vmem>>, vector<16xf32>,
    tpu.vector_store %arg10[%swap3A_736], %broadcast_in_dim3A_8 {strides = array<i32>} : memref<320xf32, #tpu.memory_space<vmem>>, vector<16xf32>,
    %swap3A_738 = arith.constant 96 : index
    %swap3A_739 = tpu.vector_load %arg10[%swap3A_738] {strides = array<i32>} : memref<320xf32, #tpu.memory_space<vmem>>, vector<16xf32>,
    tpu.vector_store %arg10[%swap3A_738], %broadcast_in_dim3A_8 {strides = array<i32>} : memref<320xf32, #tpu.memory_space<vmem>>, vector<16xf32>,
    %swap3A_740 = arith.constant 112 : index
    %swap3A_741 = tpu.vector_load %arg10[%swap3A_740] {strides = array<i32>} : memref<320xf32, #tpu.memory_space<vmem>>, vector<16xf32>,
    tpu.vector_store %arg10[%swap3A_740], %broadcast_in_dim3A_8 {strides = array<i32>} : memref<320xf32, #tpu.memory_space<vmem>>, vector<16xf32>,
    %swap3A_742 = arith.constant 128 : index
    %swap3A_743 = tpu.vector_load %arg10[%swap3A_742] {strides = array<i32>} : memref<320xf32, #tpu.memory_space<vmem>>, vector<16xf32>,
    tpu.vector_store %arg10[%swap3A_742], %broadcast_in_dim3A_8 {strides = array<i32>} : memref<320xf32, #tpu.memory_space<vmem>>, vector<16xf32>,
    %swap3A_744 = arith.constant 144 : index
    %swap3A_745 = tpu.vector_load %arg10[%swap3A_744] {strides = array<i32>} : memref<320xf32, #tpu.memory_space<vmem>>, vector<16xf32>,
    tpu.vector_store %arg10[%swap3A_744], %broadcast_in_dim3A_8 {strides = array<i32>} : memref<320xf32, #tpu.memory_space<vmem>>, vector<16xf32>,
    %swap3A_746 = arith.constant 160 : index
    %swap3A_747 = tpu.vector_load %arg10[%swap3A_746] {strides = array<i32>} : memref<320xf32, #tpu.memory_space<vmem>>, vector<16xf32>,
    tpu.vector_store %arg10[%swap3A_746], %broadcast_in_dim3A_8 {strides = array<i32>} : memref<320xf32, #tpu.memory_space<vmem>>, vector<16xf32>,
    %swap3A_748 = arith.constant 176 : index
    %swap3A_749 = tpu.vector_load %arg10[%swap3A_748] {strides = array<i32>} : memref<320xf32, #tpu.memory_space<vmem>>, vector<16xf32>,
    tpu.vector_store %arg10[%swap3A_748], %broadcast_in_dim3A_8 {strides = array<i32>} : memref<320xf32, #tpu.memory_space<vmem>>, vector<16xf32>,
    %swap3A_750 = arith.constant 192 : index
    %swap3A_751 = tpu.vector_load %arg10[%swap3A_750] {strides = array<i32>} : memref<320xf32, #tpu.memory_space<vmem>>, vector<16xf32>,
    tpu.vector_store %arg10[%swap3A_750], %broadcast_in_dim3A_8 {strides = array<i32>} : memref<320xf32, #tpu.memory_space<vmem>>, vector<16xf32>,
    %swap3A_752 = arith.constant 208 : index
    %swap3A_753 = tpu.vector_load %arg10[%swap3A_752] {strides = array<i32>} : memref<320xf32, #tpu.memory_space<vmem>>, vector<16xf32>,
    tpu.vector_store %arg10[%swap3A_752], %broadcast_in_dim3A_8 {strides = array<i32>} : memref<320xf32, #tpu.memory_space<vmem>>, vector<16xf32>,
    %swap3A_754 = arith.constant 224 : index
    %swap3A_755 = tpu.vector_load %arg10[%swap3A_754] {strides = array<i32>} : memref<320xf32, #tpu.memory_space<vmem>>, vector<16xf32>,
    tpu.vector_store %arg10[%swap3A_754], %broadcast_in_dim3A_8 {strides = array<i32>} : memref<320xf32, #tpu.memory_space<vmem>>, vector<16xf32>,
    %swap3A_756 = arith.constant 240 : index
    %swap3A_757 = tpu.vector_load %arg10[%swap3A_756] {strides = array<i32>} : memref<320xf32, #tpu.memory_space<vmem>>, vector<16xf32>,
    tpu.vector_store %arg10[%swap3A_756], %broadcast_in_dim3A_8 {strides = array<i32>} : memref<320xf32, #tpu.memory_space<vmem>>, vector<16xf32>,
    %swap3A_758 = arith.constant 256 : index
    %swap3A_759 = tpu.vector_load %arg10[%swap3A_758] {strides = array<i32>} : memref<320xf32, #tpu.memory_space<vmem>>, vector<16xf32>,
    tpu.vector_store %arg10[%swap3A_758], %broadcast_in_dim3A_8 {strides = array<i32>} : memref<320xf32, #tpu.memory_space<vmem>>, vector<16xf32>,
    %swap3A_760 = arith.constant 272 : index
    %swap3A_761 = tpu.vector_load %arg10[%swap3A_760] {strides = array<i32>} : memref<320xf32, #tpu.memory_space<vmem>>, vector<16xf32>,
    tpu.vector_store %arg10[%swap3A_760], %broadcast_in_dim3A_8 {strides = array<i32>} : memref<320xf32, #tpu.memory_space<vmem>>, vector<16xf32>,
    %swap3A_762 = arith.constant 288 : index
    %swap3A_763 = tpu.vector_load %arg10[%swap3A_762] {strides = array<i32>} : memref<320xf32, #tpu.memory_space<vmem>>, vector<16xf32>,
    tpu.vector_store %arg10[%swap3A_762], %broadcast_in_dim3A_8 {strides = array<i32>} : memref<320xf32, #tpu.memory_space<vmem>>, vector<16xf32>,
    %swap3A_764 = arith.constant 304 : index
    %swap3A_765 = tpu.vector_load %arg10[%swap3A_764] {strides = array<i32>} : memref<320xf32, #tpu.memory_space<vmem>>, vector<16xf32>,
    tpu.vector_store %arg10[%swap3A_764], %broadcast_in_dim3A_8 {strides = array<i32>} : memref<320xf32, #tpu.memory_space<vmem>>, vector<16xf32>,
    %dma_wait3A = arith.constant 0 : i32
    %dma_wait3A_766 = tpu.memref_slice %arg2[%mul3A_2, %dma_wait3A] : memref<8192x128xf32, #tpu.memory_space<hbm>> -> memref<256x128xf32, #tpu.memory_space<hbm>>
    %dma_wait3A_767 = arith.constant 0 : i32
    %dma_wait3A_768 = tpu.memref_slice %arg2[%mul3A_2, %dma_wait3A_767] : memref<8192x128xf32, #tpu.memory_space<hbm>> -> memref<256x128xf32, #tpu.memory_space<hbm>>
    tpu.wait_dma2 semaphore(%arg15 : memref<!tpu.dma_semaphore, #tpu.memory_space<semaphore_mem>>) src(%dma_wait3A_768 : memref<256x128xf32, #tpu.memory_space<hbm>>) dst(%arg6 : memref<256x128xf32, #tpu.memory_space<vmem>>)
    %parallel_loop3A = arith.constant 0 : i32
    %parallel_loop3A_769 = arith.constant 256 : i32
    %parallel_loop3A_770 = arith.constant 1 : i32
    %parallel_loop3A_771:8 = scf.for %parallel_loop3A_958 = %parallel_loop3A to %parallel_loop3A_769 step %parallel_loop3A_770 iter_args(%parallel_loop3A_959 = %broadcast_in_dim3A_8, %parallel_loop3A_960 = %broadcast_in_dim3A_8, %parallel_loop3A_961 = %broadcast_in_dim3A_8, %parallel_loop3A_962 = %broadcast_in_dim3A_8, %parallel_loop3A_963 = %broadcast_in_dim3A_8, %parallel_loop3A_964 = %broadcast_in_dim3A_8, %parallel_loop3A_965 = %broadcast_in_dim3A_8, %parallel_loop3A_966 = %broadcast_in_dim3A_8) -> (vector<16xf32>, vector<16xf32>, vector<16xf32>, vector<16xf32>, vector<16xf32>, vector<16xf32>, vector<16xf32>, vector<16xf32>)  : i32 {
      %parallel_loop3A_967 = arith.constant 2 : i32
      %parallel_loop3A_968 = arith.muli %parallel_loop3A_958, %parallel_loop3A_967 : i32
      %parallel_loop3A_969 = arith.constant 0 : i32
      %parallel_loop3A_970 = arith.addi %parallel_loop3A_968, %parallel_loop3A_969 : i32
      %parallel_loop3A_971 = vector.broadcast %parallel_loop3A_970 : i32 to vector<16xi32>
      %parallel_loop3A_972 = tpu.vector_load_idx %arg7[%parallel_loop3A_971] : memref<512xi32, #tpu.memory_space<vmem>>[vector<16xi32>], vector<16xi32>,
      %parallel_loop3A_973 = arith.constant 64 : i32
      %parallel_loop3A_974 = vector.broadcast %parallel_loop3A_973 : i32 to vector<16xi32>
      %parallel_loop3A_975 = arith.muli %parallel_loop3A_972, %parallel_loop3A_974 : vector<16xi32>
      %parallel_loop3A_976 = arith.addi %parallel_loop3A_975, %iota3A : vector<16xi32>
      %parallel_loop3A_977 = arith.index_cast %parallel_loop3A_958 : i32 to index
      %parallel_loop3A_978 = arith.constant 0 : index
      %parallel_loop3A_979 = tpu.vector_load %arg6[%parallel_loop3A_977, %parallel_loop3A_978] {strides = array<i32>} : memref<256x128xf32, #tpu.memory_space<vmem>>, vector<16xf32>,
      %parallel_loop3A_980 = arith.mulf %parallel_loop3A_979, %parallel_loop3A_979 : vector<16xf32>
      %parallel_loop3A_981 = arith.addf %parallel_loop3A_959, %parallel_loop3A_980 : vector<16xf32>
      %parallel_loop3A_982 = arith.constant 0 : i32
      %parallel_loop3A_983 = vector.broadcast %parallel_loop3A_982 : i32 to vector<16xi32>
      %parallel_loop3A_984 = arith.addi %parallel_loop3A_976, %parallel_loop3A_983 : vector<16xi32>
      tpu.vector_store_idx %arg10[%parallel_loop3A_984], %parallel_loop3A_979 {add = true} : memref<320xf32, #tpu.memory_space<vmem>>[vector<16xi32>], vector<16xf32>,
      %parallel_loop3A_985 = arith.index_cast %parallel_loop3A_958 : i32 to index
      %parallel_loop3A_986 = arith.constant 16 : index
      %parallel_loop3A_987 = tpu.vector_load %arg6[%parallel_loop3A_985, %parallel_loop3A_986] {strides = array<i32>} : memref<256x128xf32, #tpu.memory_space<vmem>>, vector<16xf32>,
      %parallel_loop3A_988 = arith.mulf %parallel_loop3A_987, %parallel_loop3A_987 : vector<16xf32>
      %parallel_loop3A_989 = arith.addf %parallel_loop3A_960, %parallel_loop3A_988 : vector<16xf32>
      %parallel_loop3A_990 = arith.constant 16 : i32
      %parallel_loop3A_991 = vector.broadcast %parallel_loop3A_990 : i32 to vector<16xi32>
      %parallel_loop3A_992 = arith.addi %parallel_loop3A_976, %parallel_loop3A_991 : vector<16xi32>
      tpu.vector_store_idx %arg10[%parallel_loop3A_992], %parallel_loop3A_987 {add = true} : memref<320xf32, #tpu.memory_space<vmem>>[vector<16xi32>], vector<16xf32>,
      %parallel_loop3A_993 = arith.index_cast %parallel_loop3A_958 : i32 to index
      %parallel_loop3A_994 = arith.constant 32 : index
      %parallel_loop3A_995 = tpu.vector_load %arg6[%parallel_loop3A_993, %parallel_loop3A_994] {strides = array<i32>} : memref<256x128xf32, #tpu.memory_space<vmem>>, vector<16xf32>,
      %parallel_loop3A_996 = arith.mulf %parallel_loop3A_995, %parallel_loop3A_995 : vector<16xf32>
      %parallel_loop3A_997 = arith.addf %parallel_loop3A_961, %parallel_loop3A_996 : vector<16xf32>
      %parallel_loop3A_998 = arith.constant 32 : i32
      %parallel_loop3A_999 = vector.broadcast %parallel_loop3A_998 : i32 to vector<16xi32>
      %parallel_loop3A_1000 = arith.addi %parallel_loop3A_976, %parallel_loop3A_999 : vector<16xi32>
      tpu.vector_store_idx %arg10[%parallel_loop3A_1000], %parallel_loop3A_995 {add = true} : memref<320xf32, #tpu.memory_space<vmem>>[vector<16xi32>], vector<16xf32>,
      %parallel_loop3A_1001 = arith.index_cast %parallel_loop3A_958 : i32 to index
      %parallel_loop3A_1002 = arith.constant 48 : index
      %parallel_loop3A_1003 = tpu.vector_load %arg6[%parallel_loop3A_1001, %parallel_loop3A_1002] {strides = array<i32>} : memref<256x128xf32, #tpu.memory_space<vmem>>, vector<16xf32>,
      %parallel_loop3A_1004 = arith.mulf %parallel_loop3A_1003, %parallel_loop3A_1003 : vector<16xf32>
      %parallel_loop3A_1005 = arith.addf %parallel_loop3A_962, %parallel_loop3A_1004 : vector<16xf32>
      %parallel_loop3A_1006 = arith.constant 48 : i32
      %parallel_loop3A_1007 = vector.broadcast %parallel_loop3A_1006 : i32 to vector<16xi32>
      %parallel_loop3A_1008 = arith.addi %parallel_loop3A_976, %parallel_loop3A_1007 : vector<16xi32>
      tpu.vector_store_idx %arg10[%parallel_loop3A_1008], %parallel_loop3A_1003 {add = true} : memref<320xf32, #tpu.memory_space<vmem>>[vector<16xi32>], vector<16xf32>,
      %parallel_loop3A_1009 = arith.constant 2 : i32
      %parallel_loop3A_1010 = arith.muli %parallel_loop3A_958, %parallel_loop3A_1009 : i32
      %parallel_loop3A_1011 = arith.constant 1 : i32
      %parallel_loop3A_1012 = arith.addi %parallel_loop3A_1010, %parallel_loop3A_1011 : i32
      %parallel_loop3A_1013 = vector.broadcast %parallel_loop3A_1012 : i32 to vector<16xi32>
      %parallel_loop3A_1014 = tpu.vector_load_idx %arg7[%parallel_loop3A_1013] : memref<512xi32, #tpu.memory_space<vmem>>[vector<16xi32>], vector<16xi32>,
      %parallel_loop3A_1015 = arith.constant 64 : i32
      %parallel_loop3A_1016 = vector.broadcast %parallel_loop3A_1015 : i32 to vector<16xi32>
      %parallel_loop3A_1017 = arith.muli %parallel_loop3A_1014, %parallel_loop3A_1016 : vector<16xi32>
      %parallel_loop3A_1018 = arith.addi %parallel_loop3A_1017, %iota3A : vector<16xi32>
      %parallel_loop3A_1019 = arith.index_cast %parallel_loop3A_958 : i32 to index
      %parallel_loop3A_1020 = arith.constant 64 : index
      %parallel_loop3A_1021 = tpu.vector_load %arg6[%parallel_loop3A_1019, %parallel_loop3A_1020] {strides = array<i32>} : memref<256x128xf32, #tpu.memory_space<vmem>>, vector<16xf32>,
      %parallel_loop3A_1022 = arith.mulf %parallel_loop3A_1021, %parallel_loop3A_1021 : vector<16xf32>
      %parallel_loop3A_1023 = arith.addf %parallel_loop3A_963, %parallel_loop3A_1022 : vector<16xf32>
      %parallel_loop3A_1024 = arith.constant 0 : i32
      %parallel_loop3A_1025 = vector.broadcast %parallel_loop3A_1024 : i32 to vector<16xi32>
      %parallel_loop3A_1026 = arith.addi %parallel_loop3A_1018, %parallel_loop3A_1025 : vector<16xi32>
      tpu.vector_store_idx %arg10[%parallel_loop3A_1026], %parallel_loop3A_1021 {add = true} : memref<320xf32, #tpu.memory_space<vmem>>[vector<16xi32>], vector<16xf32>,
      %parallel_loop3A_1027 = arith.index_cast %parallel_loop3A_958 : i32 to index
      %parallel_loop3A_1028 = arith.constant 80 : index
      %parallel_loop3A_1029 = tpu.vector_load %arg6[%parallel_loop3A_1027, %parallel_loop3A_1028] {strides = array<i32>} : memref<256x128xf32, #tpu.memory_space<vmem>>, vector<16xf32>,
      %parallel_loop3A_1030 = arith.mulf %parallel_loop3A_1029, %parallel_loop3A_1029 : vector<16xf32>
      %parallel_loop3A_1031 = arith.addf %parallel_loop3A_964, %parallel_loop3A_1030 : vector<16xf32>
      %parallel_loop3A_1032 = arith.constant 16 : i32
      %parallel_loop3A_1033 = vector.broadcast %parallel_loop3A_1032 : i32 to vector<16xi32>
      %parallel_loop3A_1034 = arith.addi %parallel_loop3A_1018, %parallel_loop3A_1033 : vector<16xi32>
      tpu.vector_store_idx %arg10[%parallel_loop3A_1034], %parallel_loop3A_1029 {add = true} : memref<320xf32, #tpu.memory_space<vmem>>[vector<16xi32>], vector<16xf32>,
      %parallel_loop3A_1035 = arith.index_cast %parallel_loop3A_958 : i32 to index
      %parallel_loop3A_1036 = arith.constant 96 : index
      %parallel_loop3A_1037 = tpu.vector_load %arg6[%parallel_loop3A_1035, %parallel_loop3A_1036] {strides = array<i32>} : memref<256x128xf32, #tpu.memory_space<vmem>>, vector<16xf32>,
      %parallel_loop3A_1038 = arith.mulf %parallel_loop3A_1037, %parallel_loop3A_1037 : vector<16xf32>
      %parallel_loop3A_1039 = arith.addf %parallel_loop3A_965, %parallel_loop3A_1038 : vector<16xf32>
      %parallel_loop3A_1040 = arith.constant 32 : i32
      %parallel_loop3A_1041 = vector.broadcast %parallel_loop3A_1040 : i32 to vector<16xi32>
      %parallel_loop3A_1042 = arith.addi %parallel_loop3A_1018, %parallel_loop3A_1041 : vector<16xi32>
      tpu.vector_store_idx %arg10[%parallel_loop3A_1042], %parallel_loop3A_1037 {add = true} : memref<320xf32, #tpu.memory_space<vmem>>[vector<16xi32>], vector<16xf32>,
      %parallel_loop3A_1043 = arith.index_cast %parallel_loop3A_958 : i32 to index
      %parallel_loop3A_1044 = arith.constant 112 : index
      %parallel_loop3A_1045 = tpu.vector_load %arg6[%parallel_loop3A_1043, %parallel_loop3A_1044] {strides = array<i32>} : memref<256x128xf32, #tpu.memory_space<vmem>>, vector<16xf32>,
      %parallel_loop3A_1046 = arith.mulf %parallel_loop3A_1045, %parallel_loop3A_1045 : vector<16xf32>
      %parallel_loop3A_1047 = arith.addf %parallel_loop3A_966, %parallel_loop3A_1046 : vector<16xf32>
      %parallel_loop3A_1048 = arith.constant 48 : i32
      %parallel_loop3A_1049 = vector.broadcast %parallel_loop3A_1048 : i32 to vector<16xi32>
      %parallel_loop3A_1050 = arith.addi %parallel_loop3A_1018, %parallel_loop3A_1049 : vector<16xi32>
      tpu.vector_store_idx %arg10[%parallel_loop3A_1050], %parallel_loop3A_1045 {add = true} : memref<320xf32, #tpu.memory_space<vmem>>[vector<16xi32>], vector<16xf32>,
      scf.yield %parallel_loop3A_981, %parallel_loop3A_989, %parallel_loop3A_997, %parallel_loop3A_1005, %parallel_loop3A_1023, %parallel_loop3A_1031, %parallel_loop3A_1039, %parallel_loop3A_1047 : vector<16xf32>, vector<16xf32>, vector<16xf32>, vector<16xf32>, vector<16xf32>, vector<16xf32>, vector<16xf32>, vector<16xf32>
    } {sc.loop_unroll_factor = 4 : i64, sc.parallel_access}
    %add3A_772 = arith.addf %broadcast_in_dim3A_8, %parallel_loop3A_771#0 : vector<16xf32>
    %add3A_773 = arith.addf %add3A_772, %parallel_loop3A_771#1 : vector<16xf32>
    %add3A_774 = arith.addf %add3A_773, %parallel_loop3A_771#2 : vector<16xf32>
    %add3A_775 = arith.addf %add3A_774, %parallel_loop3A_771#3 : vector<16xf32>
    %add3A_776 = arith.addf %add3A_775, %parallel_loop3A_771#4 : vector<16xf32>
    %add3A_777 = arith.addf %add3A_776, %parallel_loop3A_771#5 : vector<16xf32>
    %add3A_778 = arith.addf %add3A_777, %parallel_loop3A_771#6 : vector<16xf32>
    %add3A_779 = arith.addf %add3A_778, %parallel_loop3A_771#7 : vector<16xf32>
    %parallel_loop3A_780 = arith.constant 0 : i32
    %parallel_loop3A_781 = arith.constant 32 : i32
    %parallel_loop3A_782 = arith.constant 1 : i32
    %parallel_loop3A_783 = scf.for %parallel_loop3A_958 = %parallel_loop3A_780 to %parallel_loop3A_781 step %parallel_loop3A_782 iter_args(%parallel_loop3A_959 = %broadcast_in_dim3A_8) -> (vector<16xf32>)  : i32 {
      %parallel_loop3A_960 = arith.constant 16 : i32
      %parallel_loop3A_961 = arith.muli %parallel_loop3A_958, %parallel_loop3A_960 : i32
      %parallel_loop3A_962 = arith.index_cast %parallel_loop3A_961 : i32 to index
      %parallel_loop3A_963 = tpu.vector_load %arg7[%parallel_loop3A_962] {strides = array<i32>} : memref<512xi32, #tpu.memory_space<vmem>>, vector<16xi32>,
      %parallel_loop3A_964 = tpu.vector_load_idx %arg9[%parallel_loop3A_963] : memref<16xf32, #tpu.memory_space<vmem>>[vector<16xi32>], vector<16xf32>,
      %parallel_loop3A_965 = arith.addf %parallel_loop3A_959, %parallel_loop3A_964 : vector<16xf32>
      scf.yield %parallel_loop3A_965 : vector<16xf32>
    } {sc.loop_unroll_factor = 4 : i64, sc.parallel_access}
    %get3A_784 = arith.constant 0 : index
    %get3A_785 = tpu.vector_load %arg10[%get3A_784] {strides = array<i32>} : memref<320xf32, #tpu.memory_space<vmem>>, vector<16xf32>,
    %get3A_786 = arith.constant 0 : i32
    %get3A_787 = arith.index_cast %get3A_786 : i32 to index
    %get3A_788 = arith.constant 0 : index
    %get3A_789 = tpu.vector_load %arg8[%get3A_787, %get3A_788] {strides = array<i32>} : memref<5x64xf32, #tpu.memory_space<vmem>>, vector<16xf32>,
    %mul3A_790 = arith.mulf %get3A_785, %get3A_789 : vector<16xf32>
    %add3A_791 = arith.addf %broadcast_in_dim3A_8, %mul3A_790 : vector<16xf32>
    %get3A_792 = arith.constant 16 : index
    %get3A_793 = tpu.vector_load %arg10[%get3A_792] {strides = array<i32>} : memref<320xf32, #tpu.memory_space<vmem>>, vector<16xf32>,
    %get3A_794 = arith.constant 0 : i32
    %get3A_795 = arith.index_cast %get3A_794 : i32 to index
    %get3A_796 = arith.constant 16 : index
    %get3A_797 = tpu.vector_load %arg8[%get3A_795, %get3A_796] {strides = array<i32>} : memref<5x64xf32, #tpu.memory_space<vmem>>, vector<16xf32>,
    %mul3A_798 = arith.mulf %get3A_793, %get3A_797 : vector<16xf32>
    %add3A_799 = arith.addf %add3A_791, %mul3A_798 : vector<16xf32>
    %get3A_800 = arith.constant 32 : index
    %get3A_801 = tpu.vector_load %arg10[%get3A_800] {strides = array<i32>} : memref<320xf32, #tpu.memory_space<vmem>>, vector<16xf32>,
    %get3A_802 = arith.constant 0 : i32
    %get3A_803 = arith.index_cast %get3A_802 : i32 to index
    %get3A_804 = arith.constant 32 : index
    %get3A_805 = tpu.vector_load %arg8[%get3A_803, %get3A_804] {strides = array<i32>} : memref<5x64xf32, #tpu.memory_space<vmem>>, vector<16xf32>,
    %mul3A_806 = arith.mulf %get3A_801, %get3A_805 : vector<16xf32>
    %add3A_807 = arith.addf %add3A_799, %mul3A_806 : vector<16xf32>
    %get3A_808 = arith.constant 48 : index
    %get3A_809 = tpu.vector_load %arg10[%get3A_808] {strides = array<i32>} : memref<320xf32, #tpu.memory_space<vmem>>, vector<16xf32>,
    %get3A_810 = arith.constant 0 : i32
    %get3A_811 = arith.index_cast %get3A_810 : i32 to index
    %get3A_812 = arith.constant 48 : index
    %get3A_813 = tpu.vector_load %arg8[%get3A_811, %get3A_812] {strides = array<i32>} : memref<5x64xf32, #tpu.memory_space<vmem>>, vector<16xf32>,
    %mul3A_814 = arith.mulf %get3A_809, %get3A_813 : vector<16xf32>
    %add3A_815 = arith.addf %add3A_807, %mul3A_814 : vector<16xf32>
    %get3A_816 = arith.constant 64 : index
    %get3A_817 = tpu.vector_load %arg10[%get3A_816] {strides = array<i32>} : memref<320xf32, #tpu.memory_space<vmem>>, vector<16xf32>,
    %get3A_818 = arith.constant 1 : i32
    %get3A_819 = arith.index_cast %get3A_818 : i32 to index
    %get3A_820 = arith.constant 0 : index
    %get3A_821 = tpu.vector_load %arg8[%get3A_819, %get3A_820] {strides = array<i32>} : memref<5x64xf32, #tpu.memory_space<vmem>>, vector<16xf32>,
    %mul3A_822 = arith.mulf %get3A_817, %get3A_821 : vector<16xf32>
    %add3A_823 = arith.addf %add3A_815, %mul3A_822 : vector<16xf32>
    %get3A_824 = arith.constant 80 : index
    %get3A_825 = tpu.vector_load %arg10[%get3A_824] {strides = array<i32>} : memref<320xf32, #tpu.memory_space<vmem>>, vector<16xf32>,
    %get3A_826 = arith.constant 1 : i32
    %get3A_827 = arith.index_cast %get3A_826 : i32 to index
    %get3A_828 = arith.constant 16 : index
    %get3A_829 = tpu.vector_load %arg8[%get3A_827, %get3A_828] {strides = array<i32>} : memref<5x64xf32, #tpu.memory_space<vmem>>, vector<16xf32>,
    %mul3A_830 = arith.mulf %get3A_825, %get3A_829 : vector<16xf32>
    %add3A_831 = arith.addf %add3A_823, %mul3A_830 : vector<16xf32>
    %get3A_832 = arith.constant 96 : index
    %get3A_833 = tpu.vector_load %arg10[%get3A_832] {strides = array<i32>} : memref<320xf32, #tpu.memory_space<vmem>>, vector<16xf32>,
    %get3A_834 = arith.constant 1 : i32
    %get3A_835 = arith.index_cast %get3A_834 : i32 to index
    %get3A_836 = arith.constant 32 : index
    %get3A_837 = tpu.vector_load %arg8[%get3A_835, %get3A_836] {strides = array<i32>} : memref<5x64xf32, #tpu.memory_space<vmem>>, vector<16xf32>,
    %mul3A_838 = arith.mulf %get3A_833, %get3A_837 : vector<16xf32>
    %add3A_839 = arith.addf %add3A_831, %mul3A_838 : vector<16xf32>
    %get3A_840 = arith.constant 112 : index
    %get3A_841 = tpu.vector_load %arg10[%get3A_840] {strides = array<i32>} : memref<320xf32, #tpu.memory_space<vmem>>, vector<16xf32>,
    %get3A_842 = arith.constant 1 : i32
    %get3A_843 = arith.index_cast %get3A_842 : i32 to index
    %get3A_844 = arith.constant 48 : index
    %get3A_845 = tpu.vector_load %arg8[%get3A_843, %get3A_844] {strides = array<i32>} : memref<5x64xf32, #tpu.memory_space<vmem>>, vector<16xf32>,
    %mul3A_846 = arith.mulf %get3A_841, %get3A_845 : vector<16xf32>
    %add3A_847 = arith.addf %add3A_839, %mul3A_846 : vector<16xf32>
    %get3A_848 = arith.constant 128 : index
    %get3A_849 = tpu.vector_load %arg10[%get3A_848] {strides = array<i32>} : memref<320xf32, #tpu.memory_space<vmem>>, vector<16xf32>,
    %get3A_850 = arith.constant 2 : i32
    %get3A_851 = arith.index_cast %get3A_850 : i32 to index
    %get3A_852 = arith.constant 0 : index
    %get3A_853 = tpu.vector_load %arg8[%get3A_851, %get3A_852] {strides = array<i32>} : memref<5x64xf32, #tpu.memory_space<vmem>>, vector<16xf32>,
    %mul3A_854 = arith.mulf %get3A_849, %get3A_853 : vector<16xf32>
    %add3A_855 = arith.addf %add3A_847, %mul3A_854 : vector<16xf32>
    %get3A_856 = arith.constant 144 : index
    %get3A_857 = tpu.vector_load %arg10[%get3A_856] {strides = array<i32>} : memref<320xf32, #tpu.memory_space<vmem>>, vector<16xf32>,
    %get3A_858 = arith.constant 2 : i32
    %get3A_859 = arith.index_cast %get3A_858 : i32 to index
    %get3A_860 = arith.constant 16 : index
    %get3A_861 = tpu.vector_load %arg8[%get3A_859, %get3A_860] {strides = array<i32>} : memref<5x64xf32, #tpu.memory_space<vmem>>, vector<16xf32>,
    %mul3A_862 = arith.mulf %get3A_857, %get3A_861 : vector<16xf32>
    %add3A_863 = arith.addf %add3A_855, %mul3A_862 : vector<16xf32>
    %get3A_864 = arith.constant 160 : index
    %get3A_865 = tpu.vector_load %arg10[%get3A_864] {strides = array<i32>} : memref<320xf32, #tpu.memory_space<vmem>>, vector<16xf32>,
    %get3A_866 = arith.constant 2 : i32
    %get3A_867 = arith.index_cast %get3A_866 : i32 to index
    %get3A_868 = arith.constant 32 : index
    %get3A_869 = tpu.vector_load %arg8[%get3A_867, %get3A_868] {strides = array<i32>} : memref<5x64xf32, #tpu.memory_space<vmem>>, vector<16xf32>,
    %mul3A_870 = arith.mulf %get3A_865, %get3A_869 : vector<16xf32>
    %add3A_871 = arith.addf %add3A_863, %mul3A_870 : vector<16xf32>
    %get3A_872 = arith.constant 176 : index
    %get3A_873 = tpu.vector_load %arg10[%get3A_872] {strides = array<i32>} : memref<320xf32, #tpu.memory_space<vmem>>, vector<16xf32>,
    %get3A_874 = arith.constant 2 : i32
    %get3A_875 = arith.index_cast %get3A_874 : i32 to index
    %get3A_876 = arith.constant 48 : index
    %get3A_877 = tpu.vector_load %arg8[%get3A_875, %get3A_876] {strides = array<i32>} : memref<5x64xf32, #tpu.memory_space<vmem>>, vector<16xf32>,
    %mul3A_878 = arith.mulf %get3A_873, %get3A_877 : vector<16xf32>
    %add3A_879 = arith.addf %add3A_871, %mul3A_878 : vector<16xf32>
    %get3A_880 = arith.constant 192 : index
    %get3A_881 = tpu.vector_load %arg10[%get3A_880] {strides = array<i32>} : memref<320xf32, #tpu.memory_space<vmem>>, vector<16xf32>,
    %get3A_882 = arith.constant 3 : i32
    %get3A_883 = arith.index_cast %get3A_882 : i32 to index
    %get3A_884 = arith.constant 0 : index
    %get3A_885 = tpu.vector_load %arg8[%get3A_883, %get3A_884] {strides = array<i32>} : memref<5x64xf32, #tpu.memory_space<vmem>>, vector<16xf32>,
    %mul3A_886 = arith.mulf %get3A_881, %get3A_885 : vector<16xf32>
    %add3A_887 = arith.addf %add3A_879, %mul3A_886 : vector<16xf32>
    %get3A_888 = arith.constant 208 : index
    %get3A_889 = tpu.vector_load %arg10[%get3A_888] {strides = array<i32>} : memref<320xf32, #tpu.memory_space<vmem>>, vector<16xf32>,
    %get3A_890 = arith.constant 3 : i32
    %get3A_891 = arith.index_cast %get3A_890 : i32 to index
    %get3A_892 = arith.constant 16 : index
    %get3A_893 = tpu.vector_load %arg8[%get3A_891, %get3A_892] {strides = array<i32>} : memref<5x64xf32, #tpu.memory_space<vmem>>, vector<16xf32>,
    %mul3A_894 = arith.mulf %get3A_889, %get3A_893 : vector<16xf32>
    %add3A_895 = arith.addf %add3A_887, %mul3A_894 : vector<16xf32>
    %get3A_896 = arith.constant 224 : index
    %get3A_897 = tpu.vector_load %arg10[%get3A_896] {strides = array<i32>} : memref<320xf32, #tpu.memory_space<vmem>>, vector<16xf32>,
    %get3A_898 = arith.constant 3 : i32
    %get3A_899 = arith.index_cast %get3A_898 : i32 to index
    %get3A_900 = arith.constant 32 : index
    %get3A_901 = tpu.vector_load %arg8[%get3A_899, %get3A_900] {strides = array<i32>} : memref<5x64xf32, #tpu.memory_space<vmem>>, vector<16xf32>,
    %mul3A_902 = arith.mulf %get3A_897, %get3A_901 : vector<16xf32>
    %add3A_903 = arith.addf %add3A_895, %mul3A_902 : vector<16xf32>
    %get3A_904 = arith.constant 240 : index
    %get3A_905 = tpu.vector_load %arg10[%get3A_904] {strides = array<i32>} : memref<320xf32, #tpu.memory_space<vmem>>, vector<16xf32>,
    %get3A_906 = arith.constant 3 : i32
    %get3A_907 = arith.index_cast %get3A_906 : i32 to index
    %get3A_908 = arith.constant 48 : index
    %get3A_909 = tpu.vector_load %arg8[%get3A_907, %get3A_908] {strides = array<i32>} : memref<5x64xf32, #tpu.memory_space<vmem>>, vector<16xf32>,
    %mul3A_910 = arith.mulf %get3A_905, %get3A_909 : vector<16xf32>
    %add3A_911 = arith.addf %add3A_903, %mul3A_910 : vector<16xf32>
    %get3A_912 = arith.constant 256 : index
    %get3A_913 = tpu.vector_load %arg10[%get3A_912] {strides = array<i32>} : memref<320xf32, #tpu.memory_space<vmem>>, vector<16xf32>,
    %get3A_914 = arith.constant 4 : i32
    %get3A_915 = arith.index_cast %get3A_914 : i32 to index
    %get3A_916 = arith.constant 0 : index
    %get3A_917 = tpu.vector_load %arg8[%get3A_915, %get3A_916] {strides = array<i32>} : memref<5x64xf32, #tpu.memory_space<vmem>>, vector<16xf32>,
    %mul3A_918 = arith.mulf %get3A_913, %get3A_917 : vector<16xf32>
    %add3A_919 = arith.addf %add3A_911, %mul3A_918 : vector<16xf32>
    %get3A_920 = arith.constant 272 : index
    %get3A_921 = tpu.vector_load %arg10[%get3A_920] {strides = array<i32>} : memref<320xf32, #tpu.memory_space<vmem>>, vector<16xf32>,
    %get3A_922 = arith.constant 4 : i32
    %get3A_923 = arith.index_cast %get3A_922 : i32 to index
    %get3A_924 = arith.constant 16 : index
    %get3A_925 = tpu.vector_load %arg8[%get3A_923, %get3A_924] {strides = array<i32>} : memref<5x64xf32, #tpu.memory_space<vmem>>, vector<16xf32>,
    %mul3A_926 = arith.mulf %get3A_921, %get3A_925 : vector<16xf32>
    %add3A_927 = arith.addf %add3A_919, %mul3A_926 : vector<16xf32>
    %get3A_928 = arith.constant 288 : index
    %get3A_929 = tpu.vector_load %arg10[%get3A_928] {strides = array<i32>} : memref<320xf32, #tpu.memory_space<vmem>>, vector<16xf32>,
    %get3A_930 = arith.constant 4 : i32
    %get3A_931 = arith.index_cast %get3A_930 : i32 to index
    %get3A_932 = arith.constant 32 : index
    %get3A_933 = tpu.vector_load %arg8[%get3A_931, %get3A_932] {strides = array<i32>} : memref<5x64xf32, #tpu.memory_space<vmem>>, vector<16xf32>,
    %mul3A_934 = arith.mulf %get3A_929, %get3A_933 : vector<16xf32>
    %add3A_935 = arith.addf %add3A_927, %mul3A_934 : vector<16xf32>
    %get3A_936 = arith.constant 304 : index
    %get3A_937 = tpu.vector_load %arg10[%get3A_936] {strides = array<i32>} : memref<320xf32, #tpu.memory_space<vmem>>, vector<16xf32>,
    %get3A_938 = arith.constant 4 : i32
    %get3A_939 = arith.index_cast %get3A_938 : i32 to index
    %get3A_940 = arith.constant 48 : index
    %get3A_941 = tpu.vector_load %arg8[%get3A_939, %get3A_940] {strides = array<i32>} : memref<5x64xf32, #tpu.memory_space<vmem>>, vector<16xf32>,
    %mul3A_942 = arith.mulf %get3A_937, %get3A_941 : vector<16xf32>
    %add3A_943 = arith.addf %add3A_935, %mul3A_942 : vector<16xf32>
    %mul3A_944 = arith.constant 2.000000e+00 : f32
    %mul3A_945 = vector.broadcast %mul3A_944 : f32 to vector<16xf32>
    %mul3A_946 = arith.mulf %mul3A_945, %add3A_943 : vector<16xf32>
    %sub3A = arith.subf %add3A_779, %mul3A_946 : vector<16xf32>
    %add3A_947 = arith.addf %sub3A, %parallel_loop3A_783 : vector<16xf32>
    %mul3A_948 = arith.constant 3.05175774E-7 : f32
    %mul3A_949 = vector.broadcast %mul3A_948 : f32 to vector<16xf32>
    %mul3A_950 = arith.mulf %add3A_947, %mul3A_949 : vector<16xf32>
    %swap3A_951 = arith.constant 0 : index
    %swap3A_952 = tpu.vector_load %arg11[%swap3A_951] {strides = array<i32>} : memref<16xf32, #tpu.memory_space<vmem>>, vector<16xf32>,
    tpu.vector_store %arg11[%swap3A_951], %mul3A_950 {strides = array<i32>} : memref<16xf32, #tpu.memory_space<vmem>>, vector<16xf32>,
    %mul3A_953 = arith.constant 16 : i32
    %mul3A_954 = arith.muli %arg1, %mul3A_953 : i32
    "tpu.region"() ({
      %run_scoped3A = tpu.sem_alloc : memref<!tpu.dma_semaphore, #tpu.memory_space<semaphore_mem>>
      %dma_start3A_958 = tpu.memref_slice %arg14[%mul3A_954] : memref<256xf32, #tpu.memory_space<vmem_shared>> -> memref<16xf32, #tpu.memory_space<vmem_shared>>
      %dma_start3A_959 = tpu.memref_slice %arg14[%mul3A_954] : memref<256xf32, #tpu.memory_space<vmem_shared>> -> memref<16xf32, #tpu.memory_space<vmem_shared>>
      tpu.enqueue_dma source(%arg11 : memref<16xf32, #tpu.memory_space<vmem>>) target(%dma_start3A_959 : memref<16xf32, #tpu.memory_space<vmem_shared>>) target_semaphore(%run_scoped3A : memref<!tpu.dma_semaphore, #tpu.memory_space<semaphore_mem>>)
      %dma_wait3A_960 = tpu.memref_slice %arg14[%mul3A_954] : memref<256xf32, #tpu.memory_space<vmem_shared>> -> memref<16xf32, #tpu.memory_space<vmem_shared>>
      %dma_wait3A_961 = tpu.memref_slice %arg14[%mul3A_954] : memref<256xf32, #tpu.memory_space<vmem_shared>> -> memref<16xf32, #tpu.memory_space<vmem_shared>>
      tpu.wait_dma2 semaphore(%run_scoped3A : memref<!tpu.dma_semaphore, #tpu.memory_space<semaphore_mem>>) src(%arg11 : memref<16xf32, #tpu.memory_space<vmem>>) dst(%dma_wait3A_961 : memref<16xf32, #tpu.memory_space<vmem_shared>>)
      tpu.yield
    }) : () -> ()
    %barrier3A = arith.constant 0 : index
    tpu.barrier barrier_id(%barrier3A)
    %eq3A_955 = arith.constant 0 : i32
    %eq3A_956 = arith.cmpi eq, %arg1, %eq3A_955 : i32
    %convert_element_type3A = arith.extui %eq3A_956 : i1 to i32
    %cond3A = arith.constant 0 : i32
    %cond3A_957 = arith.cmpi ne, %convert_element_type3A, %cond3A : i32
    scf.if %cond3A_957 {
      "tpu.region"() ({
        %run_scoped3A = tpu.sem_alloc : memref<!tpu.dma_semaphore, #tpu.memory_space<semaphore_mem>>
        tpu.enqueue_dma source(%arg14 : memref<256xf32, #tpu.memory_space<vmem_shared>>) target(%arg12 : memref<256xf32, #tpu.memory_space<vmem>>) target_semaphore(%run_scoped3A : memref<!tpu.dma_semaphore, #tpu.memory_space<semaphore_mem>>)
        tpu.wait_dma2 semaphore(%run_scoped3A : memref<!tpu.dma_semaphore, #tpu.memory_space<semaphore_mem>>) src(%arg14 : memref<256xf32, #tpu.memory_space<vmem_shared>>) dst(%arg12 : memref<256xf32, #tpu.memory_space<vmem>>)
        tpu.yield
      }) : () -> ()
      %get3A_958 = arith.constant 0 : index
      %get3A_959 = tpu.vector_load %arg12[%get3A_958] {strides = array<i32>} : memref<256xf32, #tpu.memory_space<vmem>>, vector<16xf32>,
      %add3A_960 = arith.addf %broadcast_in_dim3A_8, %get3A_959 : vector<16xf32>
      %get3A_961 = arith.constant 16 : index
      %get3A_962 = tpu.vector_load %arg12[%get3A_961] {strides = array<i32>} : memref<256xf32, #tpu.memory_space<vmem>>, vector<16xf32>,
      %add3A_963 = arith.addf %add3A_960, %get3A_962 : vector<16xf32>
      %get3A_964 = arith.constant 32 : index
      %get3A_965 = tpu.vector_load %arg12[%get3A_964] {strides = array<i32>} : memref<256xf32, #tpu.memory_space<vmem>>, vector<16xf32>,
      %add3A_966 = arith.addf %add3A_963, %get3A_965 : vector<16xf32>
      %get3A_967 = arith.constant 48 : index
      %get3A_968 = tpu.vector_load %arg12[%get3A_967] {strides = array<i32>} : memref<256xf32, #tpu.memory_space<vmem>>, vector<16xf32>,
      %add3A_969 = arith.addf %add3A_966, %get3A_968 : vector<16xf32>
      %get3A_970 = arith.constant 64 : index
      %get3A_971 = tpu.vector_load %arg12[%get3A_970] {strides = array<i32>} : memref<256xf32, #tpu.memory_space<vmem>>, vector<16xf32>,
      %add3A_972 = arith.addf %add3A_969, %get3A_971 : vector<16xf32>
      %get3A_973 = arith.constant 80 : index
      %get3A_974 = tpu.vector_load %arg12[%get3A_973] {strides = array<i32>} : memref<256xf32, #tpu.memory_space<vmem>>, vector<16xf32>,
      %add3A_975 = arith.addf %add3A_972, %get3A_974 : vector<16xf32>
      %get3A_976 = arith.constant 96 : index
      %get3A_977 = tpu.vector_load %arg12[%get3A_976] {strides = array<i32>} : memref<256xf32, #tpu.memory_space<vmem>>, vector<16xf32>,
      %add3A_978 = arith.addf %add3A_975, %get3A_977 : vector<16xf32>
      %get3A_979 = arith.constant 112 : index
      %get3A_980 = tpu.vector_load %arg12[%get3A_979] {strides = array<i32>} : memref<256xf32, #tpu.memory_space<vmem>>, vector<16xf32>,
      %add3A_981 = arith.addf %add3A_978, %get3A_980 : vector<16xf32>
      %get3A_982 = arith.constant 128 : index
      %get3A_983 = tpu.vector_load %arg12[%get3A_982] {strides = array<i32>} : memref<256xf32, #tpu.memory_space<vmem>>, vector<16xf32>,
      %add3A_984 = arith.addf %add3A_981, %get3A_983 : vector<16xf32>
      %get3A_985 = arith.constant 144 : index
      %get3A_986 = tpu.vector_load %arg12[%get3A_985] {strides = array<i32>} : memref<256xf32, #tpu.memory_space<vmem>>, vector<16xf32>,
      %add3A_987 = arith.addf %add3A_984, %get3A_986 : vector<16xf32>
      %get3A_988 = arith.constant 160 : index
      %get3A_989 = tpu.vector_load %arg12[%get3A_988] {strides = array<i32>} : memref<256xf32, #tpu.memory_space<vmem>>, vector<16xf32>,
      %add3A_990 = arith.addf %add3A_987, %get3A_989 : vector<16xf32>
      %get3A_991 = arith.constant 176 : index
      %get3A_992 = tpu.vector_load %arg12[%get3A_991] {strides = array<i32>} : memref<256xf32, #tpu.memory_space<vmem>>, vector<16xf32>,
      %add3A_993 = arith.addf %add3A_990, %get3A_992 : vector<16xf32>
      %get3A_994 = arith.constant 192 : index
      %get3A_995 = tpu.vector_load %arg12[%get3A_994] {strides = array<i32>} : memref<256xf32, #tpu.memory_space<vmem>>, vector<16xf32>,
      %add3A_996 = arith.addf %add3A_993, %get3A_995 : vector<16xf32>
      %get3A_997 = arith.constant 208 : index
      %get3A_998 = tpu.vector_load %arg12[%get3A_997] {strides = array<i32>} : memref<256xf32, #tpu.memory_space<vmem>>, vector<16xf32>,
      %add3A_999 = arith.addf %add3A_996, %get3A_998 : vector<16xf32>
      %get3A_1000 = arith.constant 224 : index
      %get3A_1001 = tpu.vector_load %arg12[%get3A_1000] {strides = array<i32>} : memref<256xf32, #tpu.memory_space<vmem>>, vector<16xf32>,
      %add3A_1002 = arith.addf %add3A_999, %get3A_1001 : vector<16xf32>
      %get3A_1003 = arith.constant 240 : index
      %get3A_1004 = tpu.vector_load %arg12[%get3A_1003] {strides = array<i32>} : memref<256xf32, #tpu.memory_space<vmem>>, vector<16xf32>,
      %add3A_1005 = arith.addf %add3A_1002, %get3A_1004 : vector<16xf32>
      %swap3A_1006 = arith.constant 0 : index
      %swap3A_1007 = tpu.vector_load %arg13[%swap3A_1006] {strides = array<i32>} : memref<16xf32, #tpu.memory_space<vmem>>, vector<16xf32>,
      tpu.vector_store %arg13[%swap3A_1006], %add3A_1005 {strides = array<i32>} : memref<16xf32, #tpu.memory_space<vmem>>, vector<16xf32>,
      "tpu.region"() ({
        %run_scoped3A = tpu.sem_alloc : memref<!tpu.dma_semaphore, #tpu.memory_space<semaphore_mem>>
        %dma_start3A_1008 = arith.constant 0 : i32
        %dma_start3A_1009 = tpu.memref_slice %arg5[%arg0, %dma_start3A_1008] : memref<2x16xf32, #tpu.memory_space<hbm>> -> memref<1x16xf32, #tpu.memory_space<hbm>>
        %dma_start3A_1010 = tpu.memref_squeeze %dma_start3A_1009 : memref<1x16xf32, #tpu.memory_space<hbm>> -> memref<16xf32, #tpu.memory_space<hbm>>
        %dma_start3A_1011 = arith.constant 0 : i32
        %dma_start3A_1012 = tpu.memref_slice %arg5[%arg0, %dma_start3A_1011] : memref<2x16xf32, #tpu.memory_space<hbm>> -> memref<1x16xf32, #tpu.memory_space<hbm>>
        %dma_start3A_1013 = tpu.memref_squeeze %dma_start3A_1012 : memref<1x16xf32, #tpu.memory_space<hbm>> -> memref<16xf32, #tpu.memory_space<hbm>>
        tpu.enqueue_dma source(%arg13 : memref<16xf32, #tpu.memory_space<vmem>>) target(%dma_start3A_1013 : memref<16xf32, #tpu.memory_space<hbm>>) target_semaphore(%run_scoped3A : memref<!tpu.dma_semaphore, #tpu.memory_space<semaphore_mem>>)
        %dma_wait3A_1014 = arith.constant 0 : i32
        %dma_wait3A_1015 = tpu.memref_slice %arg5[%arg0, %dma_wait3A_1014] : memref<2x16xf32, #tpu.memory_space<hbm>> -> memref<1x16xf32, #tpu.memory_space<hbm>>
        %dma_wait3A_1016 = tpu.memref_squeeze %dma_wait3A_1015 : memref<1x16xf32, #tpu.memory_space<hbm>> -> memref<16xf32, #tpu.memory_space<hbm>>
        %dma_wait3A_1017 = arith.constant 0 : i32
        %dma_wait3A_1018 = tpu.memref_slice %arg5[%arg0, %dma_wait3A_1017] : memref<2x16xf32, #tpu.memory_space<hbm>> -> memref<1x16xf32, #tpu.memory_space<hbm>>
        %dma_wait3A_1019 = tpu.memref_squeeze %dma_wait3A_1018 : memref<1x16xf32, #tpu.memory_space<hbm>> -> memref<16xf32, #tpu.memory_space<hbm>>
        tpu.wait_dma2 semaphore(%run_scoped3A : memref<!tpu.dma_semaphore, #tpu.memory_space<semaphore_mem>>) src(%arg13 : memref<16xf32, #tpu.memory_space<vmem>>) dst(%dma_wait3A_1019 : memref<16xf32, #tpu.memory_space<hbm>>)
        tpu.yield
      }) : () -> ()
    } else {
    }
    return
  }
}

</mosaic_0001>

<sc_bundles>
// kernel: kernel.3.cloned.1.call-start
scs
__scs_entry_jumppad:
0x0: {  	(pc) =	sbr.rel $0x88, $3  }
0x1: {  	(tag) =	ssettag $0x0;
	lr =	simm.s32 $0x1  }
0x2: {  	[smem:$0x3F9E] =	sst lr;
	_ =	strace $0xD0000000  }
0x3: {  	_ = 	snop  }
0x4: {  	_ = 	snop  }
0x5: {  	_ = 	snop  }
0x6: {  	_ = 	snop  }
0x7: {  	_ = 	snop  }
__scs_overlays_trampoline_lowered:
0x8: {  	[smem:$0x3FAD] =	sst s0  }
0x9: {  	[smem:$0x3FAE] =	sst s1  }
0xa: {  	[smem:$0x3FAF] =	sst s2  }
0xb: {  	[smem:$0x3FB0] =	sst s3  }
0xc: {  	[smem:$0x3FB1] =	sst s4  }
0xd: {  	[smem:$0x3FB2] =	sst s5  }
0xe: {  	[smem:$0x3FB3] =	sst s6  }
0xf: {  	[smem:$0x3FB4] =	sst s7  }
0x10: {  	[smem:$0x3FB5] =	sst s8  }
0x11: {  	[smem:$0x3FB6] =	sst s9;
	s0 =	simm.s32 @!p0 $0x0  }
0x12: {  	s1 =	sld [smem:$0x3F9C];
	s0 =	simm.s32 @p0 $0x1  }
0x13: {  	[smem:$0x3FB7] =	sst s0;
	s0 =	simm.s32 @!p1 $0x0  }
0x14: {  	s2 =	sld [smem:$0x3F9B];
	s0 =	simm.s32 @p1 $0x1  }
0x15: {  	[smem:$0x3FB8] =	sst s0;
	s0 =	simm.s32 @!p2 $0x0  }
0x16: {  	s3 =	sld [smem:$0x3FDB];
	s0 =	simm.s32 @p2 $0x1  }
0x17: {  	s4 =	simm.s32 $0x1BF5;
	[smem:$0x3FBA] =	sst s0  }
0x18: {  	s0 =	sld [smem:$0x3F9D];
	_ =	swait.ge [sflag:s4], $0x0  }
0x19: {  	s7 =	sld [smem:$0x3F9E]  }
0x1a: {  	s8 =	sadd.s32 $0xFFFFE003, lr  }
0x1b: {  	s9 =	sadd.s32 $0xFFFFFEF7, lr;
	s5 =	simm.s32 $0xFFFFFFFF;
	p2 =	slt.u32 s8, $0xFFFFF086  }
0x1c: {  	p1 =	slt.u32 s9, $0xF7A;
	s5 =	simm.s32 @!p2 $0x0  }
0x1d: {  	s5 =	simm.s32 @p1 $0x1;
	p0 =	seq.s32 s7, s2  }
0x1e: {  	s7 =	smul.u32 @!p0 $0xF7A, s2;
	p2 =	seq.s32 @!p0 s5, $0x0  }
0x1f: {  	s9 =	smul.u32 $0xF7A, s1;
	s8 =	simm.s32 @!p0 $0x1BF5;
	p2 =	por !p2, p0  }
0x20: {  	[sflag:s8] =	ssyncset.s32 @!p0 $0xFFFFF086;
	s6 =	sadd.s32 @!p0 s3, s7;
	s7 =	simm.s32 @!p0 $0x108  }
0x21: {  	s3 =	sadd.s32 s3, s9;
	s6 =	sadd.s32 @!p0 $0x88, s6;
	s7 =	simm.s32 @p2 $0x1082  }
0x22: {  	[simem:s7], [sflag:s8] =	dma.local @!p0 [hbm:s6], $0xF7A  }
0x23: {  	s9 =	sor.u32 $0xD0000000, s2;
	s6 =	simm.s32 $0x108;
	_ =	swait.ge @!p0 [sflag:s8], $0x0  }
0x24: {  	s3 =	sadd.s32 $0x88, s3;
	s6 =	simm.s32 @!p1 $0x1082;
	[sflag:s4] =	ssyncset.s32 $0xFFFFF086  }
0x25: {  	[simem:s6], [sflag:s4] =	dma.local [hbm:s3], $0xF7A  }
0x26: {  	[smem:$0x3F9E] =	sst s1;
	(tag) =	ssettag s2;
	_ =	strace s9  }
0x27: {  	s1 =	sld [smem:$0x3FAE]  }
0x28: {  	s2 =	sld [smem:$0x3FAF]  }
0x29: {  	s4 =	sld [smem:$0x3FB1]  }
0x2a: {  	p0 =	seq.s32 s5, $0x0;
	s5 =	sld [smem:$0x3FB2]  }
0x2b: {  	s6 =	sld [smem:$0x3FB3]  }
0x2c: {  	s7 =	sld [smem:$0x3FB4]  }
0x2d: {  	s3 =	simm.s32 $0x108;
	s8 =	sld [smem:$0x3FB5]  }
0x2e: {  	s3 =	simm.s32 @!p0 $0x1082;
	s9 =	sld [smem:$0x3FB6]  }
0x2f: {  	lr =	sadd.s32 s0, s3;
	s0 =	sld [smem:$0x3FAD]  }
0x30: {  	s3 =	sld [smem:$0x3FB0]  }
0x31: {  	[smem:$0x3FB9] =	sst s10  }
0x32: {  	s10 =	sld [smem:$0x3FB7];
	_ =	sdelay $0x3  }
0x33: {  	p0 =	seq.s32 s10, $0x1;
	s10 =	sld [smem:$0x3FB9];
	_ =	sdelay $0x3  }
0x34: {  	[smem:$0x3FB9] =	sst s10  }
0x35: {  	s10 =	sld [smem:$0x3FB8];
	_ =	sdelay $0x3  }
0x36: {  	p1 =	seq.s32 s10, $0x1;
	s10 =	sld [smem:$0x3FB9];
	_ =	sdelay $0x3  }
0x37: {  	[smem:$0x3FB9] =	sst s10  }
0x38: {  	s10 =	sld [smem:$0x3FBA]  }
0x39: {  	_ = 	snop;
	(pc) =	sbr.ind lr, $3  }
0x3a: {  	_ = 	snop  }
0x3b: {  	_ = 	snop  }
0x3c: {  	p2 =	seq.s32 s10, $0x1;
	s10 =	sld [smem:$0x3FB9]  }
0x3d: {  	_ =	shalt  }
0x3e: {  	_ =	shalt  }
0x3f: {  	_ =	shalt  }
0x40: {  	_ =	shalt  }
0x41: {  	_ =	shalt  }
0x42: {  	_ =	shalt  }
0x43: {  	_ =	shalt  }
0x44: {  	_ =	shalt  }
0x45: {  	_ =	shalt  }
0x46: {  	_ =	shalt  }
0x47: {  	_ =	shalt  }
0x48: {  	_ =	shalt  }
0x49: {  	_ =	shalt  }
0x4a: {  	_ =	shalt  }
0x4b: {  	_ =	shalt  }
0x4c: {  	_ =	shalt  }
0x4d: {  	_ =	shalt  }
0x4e: {  	_ =	shalt  }
0x4f: {  	_ =	shalt  }
0x50: {  	_ =	shalt  }
0x51: {  	_ =	shalt  }
0x52: {  	_ =	shalt  }
0x53: {  	_ =	shalt  }
0x54: {  	_ =	shalt  }
0x55: {  	_ =	shalt  }
0x56: {  	_ =	shalt  }
0x57: {  	_ =	shalt  }
0x58: {  	_ =	shalt  }
0x59: {  	_ =	shalt  }
0x5a: {  	_ =	shalt  }
0x5b: {  	_ =	shalt  }
0x5c: {  	_ =	shalt  }
0x5d: {  	_ =	shalt  }
0x5e: {  	_ =	shalt  }
0x5f: {  	_ =	shalt  }
0x60: {  	_ =	shalt  }
0x61: {  	_ =	shalt  }
0x62: {  	_ =	shalt  }
0x63: {  	_ =	shalt  }
0x64: {  	_ =	shalt  }
0x65: {  	_ =	shalt  }
0x66: {  	_ =	shalt  }
0x67: {  	_ =	shalt  }
0x68: {  	_ =	shalt  }
0x69: {  	_ =	shalt  }
0x6a: {  	_ =	shalt  }
0x6b: {  	_ =	shalt  }
0x6c: {  	_ =	shalt  }
0x6d: {  	_ =	shalt  }
0x6e: {  	_ =	shalt  }
0x6f: {  	_ =	shalt  }
0x70: {  	_ =	shalt  }
0x71: {  	_ =	shalt  }
0x72: {  	_ =	shalt  }
0x73: {  	_ =	shalt  }
0x74: {  	_ =	shalt  }
0x75: {  	_ =	shalt  }
0x76: {  	_ =	shalt  }
0x77: {  	_ =	shalt  }
0x78: {  	_ =	shalt  }
0x79: {  	_ =	shalt  }
0x7a: {  	_ =	shalt  }
0x7b: {  	_ =	shalt  }
0x7c: {  	_ =	shalt  }
0x7d: {  	_ =	shalt  }
0x7e: {  	_ =	shalt  }
0x7f: {  	_ =	shalt  }
0x80: {  	_ =	shalt  }
0x81: {  	_ =	shalt  }
0x82: {  	_ =	shalt  }
0x83: {  	_ =	shalt  }
0x84: {  	_ =	shalt  }
0x85: {  	_ =	shalt  }
0x86: {  	_ =	shalt  }
0x87: {  	_ =	shalt  }
.Lfunc_end0:
.L_simem_size_0:
called_computation_lowered:
.L_overlay_start_0:
0x88: {  	s2 =	sld [smem:$0x3FD9]  }
0x89: {  	s3 =	sld [smem:$0x3FFE];
	_ =	sdelay $0x1  }
0x8a: {  	s1 =	srdreg.scid  }
0x8b: {  	s0 =	sand.u32 $0x1, s1  }
0x8c: {  	s17 =	sshll.u32 s0, $0xA;
	s2 =	sadd.s32 s3, s2  }
0x8d: {  	s2 =	sadd.s32 s2, s17  }
0x8e: {  	[smem:$0x3FC5] =	sst s2  }
0x8f: {  	_ = 	snop  }
0x90: {  	s2 =	sld [smem:$0x3FC8]  }
0x91: {  	s18 =	sld [smem:$0x3FC7];
	(tm) =	ssettm $0x1  }
0x92: {  	s4 =	sld [smem:$0x3FFB];
	_ =	sdelay $0x3  }
0x93: {  	_ =	strace s4  }
0x94: {  	s4 =	sld [smem:$0x3FFC];
	_ =	sdelay $0x3  }
0x95: {  	_ =	strace s4  }
0x96: {  	s4 =	sld [smem:$0x3FFD];
	_ =	sdelay $0x3  }
0x97: {  	_ =	strace s4  }
0x98: {  	_ =	strace $0x8FFFFFFF  }
0x99: {  	s19 =	sld [smem:$0x3FDB];
	_ =	sdelay $0x1  }
0x9a: {  	s5 =	simm.s32 $_scs_section_size  }
0x9b: {  	s6 =	simm.s32 $_size__tile_overlayer_lowered;
	s7 =	simm.s32 $_tile_overlayer_lowered  }
0x9c: {  	s22 =	simm.s32 $0x1BFF;
	s21 =	sshll.u32 s7, $0x1;
	s4 =	sadd.s32 s5, s19  }
0x9d: {  	s8 =	simm.s32 $0x0;
	s20 =	sshll.u32 s6, $0x1;
	s6 =	sadd.s32 s21, s4  }
0x9e: {  	[timem:s8], [sflag:s22] =	dma.local [hbm:s6], s20  }
0x9f: {  	_ =	swait.ge [sflag:s22], s20  }
0xa0: {  	s5 =	ssub.s32 $0x0, s20;
	[sflag:s22] =	ssyncset.done $0x0  }
0xa1: {  	[sflag:s22] =	ssyncadd.s32 s5;
	_ =	sdelay $0x1  }
0xa2: {  	s23 =	simm.s32 $0x1B8B  }
0xa3: {  	_ =	swait.ge [sflag:s23], $0x1  }
0xa4: {  	[sflag:s23] =	ssyncset.done $0x0  }
0xa5: {  	s25 =	simm.s32 $0x1B8E;
	s24 =	sld [smem:$0x3FFE];
	[sflag:s23] =	ssyncadd.s32 $0xFFFFFFFF  }
0xa6: {  	s26 =	simm.s32 $execute0_lowered;
	[smem:$0x3FD2] =	sst s25  }
0xa7: {  	s6 =	sshll.u32 s26, $0x1;
	_ =	strace $0x80000046;
	[dreg:$0x1] =	wrdreg $0xFFFFFFFF  }
0xa8: {  	s28 =	simm.s32 $_size_execute0_lowered;
	s4 =	sadd.s32 s4, s6;
	[dreg:$0x0] =	wrdreg $0x0  }
0xa9: {  	s6 =	sshll.u32 s28, $0x1;
	[dreg:$0x2] =	wrdreg s4  }
0xaa: {  	[dreg:$0x3] =	wrdreg s6  }
0xab: {  	[dreg:$0x4] =	wrdreg $0xC0  }
0xac: {  	_ =	task [dreg:s8], $0x5FFFF  }
0xad: {  	[dreg:$0x1] =	wrdreg $0xFFFFFFFF  }
0xae: {  	[dreg:$0x0] =	wrdreg $0x60  }
0xaf: {  	[dreg:$0x2] =	wrdreg s24  }
0xb0: {  	[dreg:$0x3] =	wrdreg s2  }
0xb1: {  	[dreg:$0x4] =	wrdreg s18  }
0xb2: {  	[dreg:$0x5] =	wrdreg $0x8A000  }
0xb3: {  	[dreg:$0x6] =	wrdreg $0x9  }
0xb4: {  	_ =	task.clear_ibuf [dreg:s8], $0x7FFFF;
	_ =	strace $0x90000046  }
0xb5: {  	s29 =	simm.s32 $0x9;
	_ =	strace $0x80000048  }
0xb6: {  	_ =	swait.ge [sflag:s29], $0x1  }
0xb7: {  	[sflag:s29] =	ssyncadd.s32 $0xFFFFFFFF  }
0xb8: {  	_ =	strace $0x90000048  }
0xb9: {  	_ =	sfence  }
0xba: {  	s30 =	sld [smem:$0x0];
	_ =	sdelay $0x2  }
0xbb: {  	s31 =	sshll.u32 s1, $0xD;
	s1 =	sshrl.u32 s1, $0x2  }
0xbc: {  	s3 =	sand.u32 $0x4000, s31;
	s1 =	sadd.s32 s1, s30  }
0xbd: {  	s0 =	sor.u32 s3, s0;
	s1 =	sshll.u32 s1, $0x11  }
0xbe: {  	s0 =	sor.u32 s1, s0  }
0xbf: {  	s0 =	sadd.s32 $0x8F2B, s0  }
0xc0: {  	[sflag:s0] =	ssyncadd.remote.s32 $0x1  }
0xc1: {  	_ =	sfence.sel $0xFFFF  }
0xc2: {  	[dreg:$0x0] =	wrdreg $0xFFFFFFFF;
	(pc) =	sbr.abs _section_cstart, $3  }
0xc3: {  	[dreg:$0x1] =	wrdreg $0xFFFFFFFF  }
0xc4: {  	_ =	task.clear_ibuf [dreg:s8], $0x2FFFF;
	_ =	strace $0x9FFFFFFF  }
0xc5: {  	(tm) =	ssettm $0x7FFFFFFF  }
tec
execute0_lowered:
.L_overlay_start_1:
0x0: {  	(tag) =	ssettag $0x1  }
0x1: {  	s4 =	rddreg [dreg:$0x0]  }
0x2: {  	v0 =	vimm.s32 $0xFEDCBA98;
	v1 =	vimm.s32 $0x76543210;
	s5 =	rddreg [dreg:$0x1]  }
0x3: {  	s0 =	rddreg [dreg:$0x2];
	v2 =	vimm.s32 $0x3210FEDC;
	v3 =	vimm.s32 $0xBA987654;
	v4 =	vimm.s32 $0x10FEDCBA  }
0x4: {  	s2 =	rddreg [dreg:$0x3];
	v5 =	vimm.s32 $0x98765432;
	v6 =	vimm.s32 $0xFEDCBA9;
	v7 =	vimm.s32 $0x87654321  }
0x5: {  	s1 =	rddreg [dreg:$0x4];
	vm0 =	vmmov $0x1;
	vm1 =	vcmask $0x314;
	vm2 =	vcmask $0x714  }
0x6: {  	s3 =	simm.s32 $0x0;
	s6 =	srdreg.scid;
	s15 =	stileid.u32;
	v0 =	vunpack.c.l.s4.s8 v0;
	v1 =	vunpack.c.l.s4.s8 v1;
	v2 =	vunpack.c.l.s4.s8 v2  }
0x7: {  	s11 =	simm.s32 $0x8200;
	s12 =	simm.s32 $0x1;
	s13 =	simm.s32 $0x8680;
	v3 =	vunpack.c.l.s4.s8 v3;
	v4 =	vunpack.c.l.s4.s8 v4;
	v5 =	vunpack.c.l.s4.s8 v5  }
0x8: {  	s14 =	simm.s32 $0x8600;
	s16 =	simm.s32 $0x0;
	[smem:$0x7FF] =	sst s3;
	v6 =	vunpack.c.l.s4.s8 v6;
	v7 =	vunpack.c.l.s4.s8 v7;
	v0 =	vunpack.c.0.s8.s32 v0  }
0x9: {  	s6 =	sand.u32 $0x1, s6;
	s9 =	sshll.u32 s15, $0x1;
	s31 =	sshll.u32 s15, $0x4;
	v2 =	vunpack.c.0.s8.s32 v2;
	v3 =	vunpack.c.0.s8.s32 v3;
	v4 =	vunpack.c.0.s8.s32 v4  }
0xa: {  	p0 =	sne.s32 s15, $0x0;
	s15 =	simm.s32 $0x8800;
	_ =	strace $0x80000047;
	v5 =	vunpack.c.0.s8.s32 v5;
	v6 =	vunpack.c.0.s8.s32 v6;
	v7 =	vunpack.c.0.s8.s32 v7  }
0xb: {  	vm3 =	vcmask $0xB14;
	s7 =	sshll.u32 s6, $0x4;
	s8 =	ssub.s32 $0x2, s6;
	s6 =	sor.u32 s6, s9;
	v1 =	vunpack.c.0.s8.s32 v1;
	v2 =	vcombine.low v3, v2  }
0xc: {  	s7 =	sadd.s32 s7, s4;
	s10 =	sshrl.u32 s8, $0x1;
	s9 =	sshll.u32 s6, $0xC;
	v0 =	vand.u32 $0xF, v0;
	v3 =	vcombine.low v5, v4;
	v4 =	vcombine.low v7, v6  }
0xd: {  	vm4 =	vcmask $0xF14;
	s6 =	sshll.u32 s6, $0x6;
	s8 =	ssub.s32 s8, s10;
	s4 =	sadd.s32 s4, s9;
	v0 =	vcombine.low v0, v1;
	v1 =	vand.u32 $0xF, v2  }
0xe: {  	s5 =	sadd.s32 s5, s6;
	s6 =	sadd.s32 s31, s2;
	s7 =	sadd.s32 $0x20000, s7;
	v2 =	vand.u32 $0xF, v3;
	v3 =	vand.u32 $0xF, v4;
	v4 =	vlaneseq.u32  }
0xf: {  	s9 =	simm.s32 $0x8000;
	s10 =	simm.s32 $0x2;
	s8 =	smax.u32 s8, $0x1;
	v5 =	vor.u32 $0x10, v4;
	v6 =	vor.u32 $0x20, v4;
	v7 =	vor.u32 $0x30, v4  }
.LBB2_1:
0x10: {  	[tilespmem:s3], [sflag:$0x1] =	stream.linear.gather [hbm4b:s4+s3], $0x8000, $0x38;
	[tilespmem:$0x8A10] =	vst v63  }
0x11: {  	_ = 	snop  }
0x12: {  	[tilespmem:s9], [sflag:$0x2] =	stream.linear.gather [hbm4b:s5+s3], $0x200, $0x38;
	[tilespmem:$0x8A10] =	vst v63  }
0x13: {  	_ =	swait.ge [sflag:s10], $0x200  }
0x14: {  	[sflag:s10] =	ssyncset.done $0x0  }
0x15: {  	[sflag:s10] =	ssyncadd.s32 $0xFFFFFE00  }
0x16: {  	[tilespmem:s11], [sflag:$0x2] =	stream.linear.gather [hbm4b:s0+s3], $0x280, $0x38;
	[tilespmem:$0x8A10] =	vst v63  }
0x17: {  	_ =	swait.ge [sflag:s10], $0x280  }
0x18: {  	[sflag:s10] =	ssyncset.done $0x0  }
0x19: {  	[sflag:s10] =	ssyncadd.s32 $0xFFFFFD80  }
0x1a: {  	v8 =	vld [tilespmem:$0x8200]  }
0x1b: {  	v9 =	vld [tilespmem:$0x8210]  }
0x1c: {  	v10 =	vld [tilespmem:$0x8220]  }
0x1d: {  	v11 =	vld [tilespmem:$0x8230]  }
0x1e: {  	v12 =	vld [tilespmem:$0x8280]  }
0x1f: {  	v13 =	vld [tilespmem:$0x8290]  }
0x20: {  	v14 =	vld [tilespmem:$0x82A0]  }
0x21: {  	v15 =	vld [tilespmem:$0x82B0]  }
0x22: {  	v16 =	vld [tilespmem:$0x8300];
	v8 =	vmul.f32 v8, v8;
	v9 =	vmul.f32 v9, v9  }
0x23: {  	v17 =	vld [tilespmem:$0x8320]  }
0x24: {  	v18 =	vld [tilespmem:$0x8380];
	v8 =	vadd.f32 v9, v8;
	v9 =	vmul.f32 v10, v10  }
0x25: {  	v19 =	vld [tilespmem:$0x8400]  }
0x26: {  	v10 =	vld [tilespmem:$0x8310];
	v8 =	vadd.f32 v9, v8;
	v9 =	vmul.f32 v11, v11  }
0x27: {  	v21 =	vld [tilespmem:$0x8410]  }
0x28: {  	v12 =	vmul.f32 v12, v12;
	v13 =	vmul.f32 v13, v13;
	v8 =	vadd.f32 v9, v8;
	v9 =	vld [tilespmem:$0x8390]  }
0x29: {  	v22 =	vld [tilespmem:$0x83A0];
	v14 =	vmul.f32 v14, v14  }
0x2a: {  	v23 =	vld [tilespmem:$0x8420];
	v16 =	vmul.f32 v16, v16;
	v12 =	vadd.f32 v13, v12;
	v13 =	vmul.f32 v15, v15  }
0x2b: {  	v15 =	vmul.f32 v17, v17;
	v11 =	vld [tilespmem:$0x8330];
	v10 =	vmul.f32 v10, v10  }
0x2c: {  	v17 =	vld [tilespmem:$0x83B0];
	v12 =	vadd.f32 v14, v12;
	v14 =	vmul.f32 v19, v19;
	v19 =	vmul.f32 v21, v21  }
0x2d: {  	v10 =	vadd.f32 v10, v16;
	v16 =	vmul.f32 v18, v18;
	v18 =	vld [tilespmem:$0x8430];
	v9 =	vmul.f32 v9, v9  }
0x2e: {  	v14 =	vadd.f32 v19, v14  }
0x2f: {  	v10 =	vadd.f32 v15, v10;
	v15 =	vmul.f32 v22, v22;
	v9 =	vadd.f32 v9, v16  }
0x30: {  	v12 =	vadd.f32 v13, v12;
	v11 =	vmul.f32 v11, v11;
	v16 =	vmul.f32 v23, v23  }
0x31: {  	v13 =	vmul.f32 v17, v17;
	v20 =	vperm.xlane v8, v0;
	v9 =	vadd.f32 v15, v9  }
0x32: {  	v10 =	vadd.f32 v11, v10;
	v11 =	vadd.f32 v16, v14;
	v14 =	vmul.f32 v18, v18  }
0x33: {  	v15 =	vperm.xlane v12, v0;
	v9 =	vadd.f32 v13, v9  }
0x34: {  	v8 =	vadd.f32 v8, v20;
	v13 =	vperm.xlane v10, v0;
	v11 =	vadd.f32 v14, v11  }
0x35: {  	v12 =	vadd.f32 v12, v15;
	v14 =	vperm.xlane v9, v0  }
0x36: {  	v15 =	vperm.xlane v8, v1;
	v10 =	vadd.f32 v10, v13;
	v13 =	vperm.xlane v11, v0  }
0x37: {  	v16 =	vperm.xlane v12, v1;
	v9 =	vadd.f32 v9, v14  }
0x38: {  	v8 =	vadd.f32 v8, v15;
	v14 =	vperm.xlane v10, v1;
	v11 =	vadd.f32 v11, v13  }
0x39: {  	v12 =	vadd.f32 v12, v16;
	v13 =	vperm.xlane v9, v1  }
0x3a: {  	v15 =	vperm.xlane v8, v2;
	v10 =	vadd.f32 v10, v14;
	v14 =	vperm.xlane v11, v1  }
0x3b: {  	v16 =	vperm.xlane v12, v2;
	v9 =	vadd.f32 v9, v13  }
0x3c: {  	v8 =	vadd.f32 v8, v15;
	v13 =	vperm.xlane v10, v2;
	v11 =	vadd.f32 v11, v14  }
0x3d: {  	v12 =	vadd.f32 v12, v16;
	v14 =	vperm.xlane v9, v2  }
0x3e: {  	v15 =	vperm.xlane v8, v3;
	v10 =	vadd.f32 v10, v13;
	v13 =	vperm.xlane v11, v2  }
0x3f: {  	v16 =	vperm.xlane v12, v3;
	v9 =	vadd.f32 v9, v14  }
0x40: {  	v8 =	vadd.f32 v8, v15;
	v14 =	vperm.xlane v10, v3;
	v11 =	vadd.f32 v11, v13  }
0x41: {  	v12 =	vadd.f32 v12, v16;
	v13 =	vperm.xlane v9, v3  }
0x42: {  	v8 =	vnsel vm0, $0x0, v8;
	v10 =	vadd.f32 v10, v14;
	v14 =	vperm.xlane v11, v3  }
0x43: {  	v8 =	vsel vm1, v8, v12;
	v9 =	vadd.f32 v9, v13  }
0x44: {  	v8 =	vsel vm2, v8, v10;
	v10 =	vadd.f32 v11, v14  }
0x45: {  	v8 =	vsel vm3, v8, v9  }
0x46: {  	v8 =	vsel vm4, v8, v10  }
0x47: {  	[tilespmem:$0x8600] =	vst v8;
	v8 =	vimm.f32 $0.0e+00  }
0x48: {  	[tilespmem:$0x8680] =	vst v8  }
0x49: {  	[tilespmem:$0x8690] =	vst v8  }
0x4a: {  	[tilespmem:$0x86A0] =	vst v8  }
0x4b: {  	[tilespmem:$0x86B0] =	vst v8  }
0x4c: {  	[tilespmem:$0x86C0] =	vst v8  }
0x4d: {  	[tilespmem:$0x86D0] =	vst v8  }
0x4e: {  	[tilespmem:$0x86E0] =	vst v8  }
0x4f: {  	[tilespmem:$0x86F0] =	vst v8  }
0x50: {  	[tilespmem:$0x8700] =	vst v8  }
0x51: {  	[tilespmem:$0x8710] =	vst v8  }
0x52: {  	[tilespmem:$0x8720] =	vst v8  }
0x53: {  	[tilespmem:$0x8730] =	vst v8  }
0x54: {  	[tilespmem:$0x8740] =	vst v8  }
0x55: {  	[tilespmem:$0x8750] =	vst v8  }
0x56: {  	[tilespmem:$0x8760] =	vst v8  }
0x57: {  	v9 =	vmov s3;
	[tilespmem:$0x8770] =	vst v8  }
0x58: {  	s17 =	simm.s32 $0x2;
	v9 =	vand.u32 $0xFFFFFFF8, v9;
	[tilespmem:$0x8780] =	vst v8  }
0x59: {  	v10 =	vmov s17;
	v9 =	vbroadcast v9, $0x0;
	[tilespmem:$0x8790] =	vst v8  }
0x5a: {  	v10 =	vand.u32 $0xFFFFFFFA, v10;
	[tilespmem:$0x87A0] =	vst v8  }
0x5b: {  	[tilespmem:$0x87B0] =	vst v8;
	v10 =	vbroadcast v10, $0x0  }
0x5c: {  	_ =	swait.ge [sflag:s12], $0x8000  }
0x5d: {  	[sflag:s12] =	ssyncset.done $0x0  }
0x5e: {  	[sflag:s12] =	ssyncadd.s32 $0xFFFF8000  }
0x5f: {  	v9 =	vld.idx.msk [tilespmem:v9+s9+$0x0], $0xffff;
	_ =	sdelay $0x1  }
0x60: {  	v10 =	vld.idx.msk [tilespmem:v10+s9+$0x0], $0xffff;
	_ =	sdelay $0x2  }
0x61: {  	s19 =	simm.s32 $0x100;
	v9 =	vshll.u32 v9, $0x6  }
0x62: {  	v16 =	vld [tilespmem:s19+$0xFFFFFF00];
	v12 =	vor.u32 v4, v9  }
0x63: {  	v10 =	vshll.u32 v10, $0x6  }
0x64: {  	v11 =	vld [tilespmem:s19+$0xFFFFFF80];
	v13 =	vor.u32 v4, v10;
	_ =	sdelay $0x2  }
0x65: {  	[tilespmem:v12+s13+$0x0] =	vst.idx.add.f32.msk $0xffff, v16  }
0x66: {  	v14 =	vor.u32 v5, v9;
	v21 =	vld [tilespmem:s19+$0xFFFFFF10]  }
0x67: {  	s21 =	simm.s32 $0x4;
	[tilespmem:v13+s13+$0x0] =	vst.idx.add.f32.msk $0xffff, v11  }
0x68: {  	v15 =	vor.u32 v5, v10;
	v13 =	vmov s21;
	v12 =	vld [tilespmem:s19+$0xFFFFFF90]  }
0x69: {  	v13 =	vand.u32 $0xFFFFFFFC, v13  }
0x6a: {  	v13 =	vbroadcast v13, $0x0  }
0x6b: {  	[tilespmem:v14+s13+$0x0] =	vst.idx.add.f32.msk $0xffff, v21  }
0x6c: {  	v14 =	vor.u32 v6, v9;
	v22 =	vld [tilespmem:s19+$0xFFFFFF20]  }
0x6d: {  	[tilespmem:v15+s13+$0x0] =	vst.idx.add.f32.msk $0xffff, v12  }
0x6e: {  	v15 =	vor.u32 v6, v10;
	v23 =	vld [tilespmem:s19+$0xFFFFFFA0]  }
0x6f: {  	s22 =	simm.s32 $0x1  }
0x70: {  	v17 =	vmov s22;
	v13 =	vld.idx.msk [tilespmem:v13+s9+$0x0], $0xffff  }
0x71: {  	s23 =	simm.s32 $0x3;
	v18 =	vand.u32 $0xFFFFFFF9, v17;
	[tilespmem:v14+s13+$0x0] =	vst.idx.add.f32.msk $0xffff, v22  }
0x72: {  	v9 =	vor.u32 v7, v9;
	v14 =	vbroadcast v18, $0x0;
	v18 =	vmov s23;
	v17 =	vld [tilespmem:s19+$0xFFFFFF30]  }
0x73: {  	[tilespmem:v15+s13+$0x0] =	vst.idx.add.f32.msk $0xffff, v23;
	v15 =	vand.u32 $0xFFFFFFFB, v18  }
0x74: {  	v10 =	vor.u32 v7, v10;
	v18 =	vld [tilespmem:s19+$0xFFFFFFB0];
	v15 =	vbroadcast v15, $0x0;
	_ =	sdelay $0x1  }
0x75: {  	v24 =	vld [tilespmem:s19+$0x0]  }
0x76: {  	[tilespmem:v9+s13+$0x0] =	vst.idx.add.f32.msk $0xffff, v17  }
0x77: {  	s24 =	simm.s32 $0x6;
	v9 =	vld.idx.msk [tilespmem:v14+s9+$0x0], $0xffff  }
0x78: {  	v13 =	vshll.u32 v13, $0x6;
	v14 =	vmov s24;
	[tilespmem:v10+s13+$0x0] =	vst.idx.add.f32.msk $0xffff, v18  }
0x79: {  	v19 =	vor.u32 v4, v13;
	v10 =	vand.u32 $0xFFFFFFFE, v14;
	v14 =	vld.idx.msk [tilespmem:v15+s9+$0x0], $0xffff;
	_ =	sdelay $0x1  }
0x7a: {  	v10 =	vbroadcast v10, $0x0  }
0x7b: {  	v31 =	vld [tilespmem:s19+$0x80];
	v26 =	vshll.u32 v9, $0x6  }
0x7c: {  	v27 =	vld [tilespmem:s19+$0xFFFFFF40];
	v9 =	vor.u32 v4, v26  }
0x7d: {  	[tilespmem:v19+s13+$0x0] =	vst.idx.add.f32.msk $0xffff, v24;
	v14 =	vshll.u32 v14, $0x6  }
0x7e: {  	v20 =	vld [tilespmem:s19+$0xFFFFFFC0];
	v19 =	vor.u32 v4, v14  }
0x7f: {  	v25 =	vld [tilespmem:s19+$0x10]  }
0x80: {  	v10 =	vld.idx.msk [tilespmem:v10+s9+$0x0], $0xffff  }
0x81: {  	v15 =	vor.u32 v5, v13;
	[tilespmem:v9+s13+$0x0] =	vst.idx.add.f32.msk $0xffff, v27  }
0x82: {  	v9 =	vor.u32 v5, v26;
	v28 =	vld [tilespmem:s19+$0xFFFFFF50]  }
0x83: {  	s18 =	simm.s32 $0xA;
	[tilespmem:v19+s13+$0x0] =	vst.idx.add.f32.msk $0xffff, v20  }
0x84: {  	v39 =	vmov s18;
	s18 =	simm.s32 $0x300;
	v29 =	vor.u32 v5, v14;
	v19 =	vld [tilespmem:s19+$0xFFFFFFD0]  }
0x85: {  	v41 =	vld [tilespmem:s18+$0xFFFFFF00]  }
0x86: {  	[tilespmem:v15+s13+$0x0] =	vst.idx.add.f32.msk $0xffff, v25;
	v30 =	vshll.u32 v10, $0x6  }
0x87: {  	v10 =	vor.u32 v4, v30;
	[tilespmem:v9+s13+$0x0] =	vst.idx.add.f32.msk $0xffff, v28  }
0x88: {  	v33 =	vor.u32 v6, v26;
	v15 =	vld [tilespmem:s19+$0xFFFFFF60]  }
0x89: {  	[tilespmem:v29+s13+$0x0] =	vst.idx.add.f32.msk $0xffff, v19  }
0x8a: {  	v29 =	vor.u32 v6, v14;
	v9 =	vld [tilespmem:s19+$0xFFFFFFE0]  }
0x8b: {  	v32 =	vld [tilespmem:s19+$0x20]  }
0x8c: {  	[tilespmem:v10+s13+$0x0] =	vst.idx.add.f32.msk $0xffff, v31  }
0x8d: {  	v35 =	vor.u32 v6, v13;
	[tilespmem:v33+s13+$0x0] =	vst.idx.add.f32.msk $0xffff, v15  }
0x8e: {  	v36 =	vld [tilespmem:s19+$0xFFFFFF70]  }
0x8f: {  	v26 =	vor.u32 v7, v26;
	[tilespmem:v29+s13+$0x0] =	vst.idx.add.f32.msk $0xffff, v9  }
0x90: {  	s25 =	simm.s32 $0x5;
	v29 =	vor.u32 v7, v14;
	v10 =	vld [tilespmem:s19+$0xFFFFFFF0]  }
0x91: {  	v49 =	vmov s25;
	v48 =	vor.u32 v5, v30;
	v34 =	vld [tilespmem:s19+$0x90]  }
0x92: {  	v51 =	vand.u32 $0xFFFFFFFA, v39;
	s17 =	simm.s32 $0x8;
	[tilespmem:v35+s13+$0x0] =	vst.idx.add.f32.msk $0xffff, v32;
	v33 =	vand.u32 $0xFFFFFFFD, v49  }
0x93: {  	v38 =	vmov s17;
	v13 =	vor.u32 v7, v13;
	v37 =	vld [tilespmem:s19+$0x30];
	v33 =	vbroadcast v33, $0x0  }
0x94: {  	v38 =	vand.u32 $0xFFFFFFF8, v38;
	[tilespmem:v26+s13+$0x0] =	vst.idx.add.f32.msk $0xffff, v36;
	v26 =	vbroadcast v51, $0x0  }
0x95: {  	[tilespmem:v29+s13+$0x0] =	vst.idx.add.f32.msk $0xffff, v10;
	v29 =	vbroadcast v38, $0x0  }
0x96: {  	[tilespmem:v48+s13+$0x0] =	vst.idx.add.f32.msk $0xffff, v34  }
0x97: {  	s26 =	simm.s32 $0xE;
	v50 =	vor.u32 v6, v30;
	v14 =	vld [tilespmem:s19+$0xA0]  }
0x98: {  	v52 =	vmov s26;
	[tilespmem:v13+s13+$0x0] =	vst.idx.add.f32.msk $0xffff, v37  }
0x99: {  	v53 =	vand.u32 $0xFFFFFFFE, v52;
	v13 =	vld.idx.msk [tilespmem:v33+s9+$0x0], $0xffff  }
0x9a: {  	s28 =	simm.s32 $0xC;
	v35 =	vbroadcast v53, $0x0;
	v26 =	vld.idx.msk [tilespmem:v26+s9+$0x0], $0xffff  }
0x9b: {  	v54 =	vmov s28;
	v29 =	vld.idx.msk [tilespmem:v29+s9+$0x0], $0xffff  }
0x9c: {  	v33 =	vand.u32 $0xFFFFFFFC, v54;
	[tilespmem:v50+s13+$0x0] =	vst.idx.add.f32.msk $0xffff, v14  }
0x9d: {  	v30 =	vor.u32 v7, v30;
	v33 =	vbroadcast v33, $0x0;
	v55 =	vld [tilespmem:s19+$0xB0]  }
0x9e: {  	s29 =	simm.s32 $0x7;
	v44 =	vld [tilespmem:s18+$0xFFFFFF80]  }
0x9f: {  	v40 =	vmov s29;
	v58 =	vld [tilespmem:s18+$0x0];
	v16 =	vmul.f32 v16, v16;
	v26 =	vshll.u32 v26, $0x6  }
0xa0: {  	v21 =	vmul.f32 v21, v21;
	v35 =	vld.idx.msk [tilespmem:v35+s9+$0x0], $0xffff;
	v29 =	vshll.u32 v29, $0x6;
	v43 =	vor.u32 v4, v26  }
0xa1: {  	v11 =	vmul.f32 v11, v11;
	v16 =	vadd.f32 v16, v8;
	v56 =	vld [tilespmem:s19+$0x40];
	v57 =	vor.u32 v4, v29  }
0xa2: {  	v12 =	vmul.f32 v12, v12;
	v21 =	vadd.f32 v21, v8;
	[tilespmem:v30+s13+$0x0] =	vst.idx.add.f32.msk $0xffff, v55  }
0xa3: {  	v22 =	vmul.f32 v22, v22;
	v33 =	vld.idx.msk [tilespmem:v33+s9+$0x0], $0xffff  }
0xa4: {  	v11 =	vadd.f32 v11, v16;
	v16 =	vadd.f32 v12, v21;
	v30 =	vld.idx.msk [tilespmem:v40+s9+$0x0], $0xffff  }
0xa5: {  	v23 =	vmul.f32 v23, v23;
	v22 =	vadd.f32 v22, v8;
	v13 =	vshll.u32 v13, $0x6;
	[tilespmem:v43+s13+$0x0] =	vst.idx.add.f32.msk $0xffff, v44  }
0xa6: {  	v15 =	vmul.f32 v15, v15;
	v42 =	vor.u32 v4, v13;
	[tilespmem:v57+s13+$0x0] =	vst.idx.add.f32.msk $0xffff, v41  }
0xa7: {  	v21 =	vadd.f32 v23, v22;
	v17 =	vmul.f32 v17, v17;
	v23 =	vor.u32 v5, v26;
	v22 =	vld [tilespmem:s18+$0xFFFFFF90]  }
0xa8: {  	v9 =	vmul.f32 v9, v9;
	v15 =	vadd.f32 v15, v8;
	v46 =	vor.u32 v5, v29;
	v40 =	vld [tilespmem:s18+$0xFFFFFF10]  }
0xa9: {  	v24 =	vmul.f32 v24, v24;
	v48 =	vld [tilespmem:s18+$0x80]  }
0xaa: {  	v18 =	vmul.f32 v18, v18;
	v17 =	vadd.f32 v17, v8;
	v51 =	vadd.f32 v9, v15;
	v9 =	vld [tilespmem:s19+$0xC0]  }
0xab: {  	v11 =	vadd.f32 v24, v11;
	v24 =	vmul.f32 v31, v31;
	[tilespmem:v42+s13+$0x0] =	vst.idx.add.f32.msk $0xffff, v56;
	v12 =	vshll.u32 v33, $0x6  }
0xac: {  	v17 =	vadd.f32 v18, v17;
	v33 =	vor.u32 v4, v12;
	[tilespmem:v23+s13+$0x0] =	vst.idx.add.f32.msk $0xffff, v22  }
0xad: {  	v25 =	vmul.f32 v25, v25;
	v18 =	vmul.f32 v32, v32;
	[tilespmem:v46+s13+$0x0] =	vst.idx.add.f32.msk $0xffff, v40  }
0xae: {  	v23 =	vadd.f32 v24, v11;
	v11 =	vmul.f32 v27, v27;
	v27 =	vor.u32 v6, v26;
	v24 =	vld [tilespmem:s18+$0xFFFFFFA0]  }
0xaf: {  	v59 =	vor.u32 v6, v29;
	v31 =	vld [tilespmem:s18+$0xFFFFFF20]  }
0xb0: {  	v16 =	vadd.f32 v25, v16;
	v18 =	vadd.f32 v18, v21;
	v42 =	vld [tilespmem:s19+$0x50]  }
0xb1: {  	v25 =	vmul.f32 v28, v28;
	v21 =	vmul.f32 v34, v34;
	[tilespmem:v33+s13+$0x0] =	vst.idx.add.f32.msk $0xffff, v58  }
0xb2: {  	s20 =	simm.s32 $0x9;
	v20 =	vmul.f32 v20, v20;
	v19 =	vmul.f32 v19, v19;
	v45 =	vor.u32 v5, v13;
	v28 =	vld [tilespmem:s18+$0x10]  }
0xb3: {  	v16 =	vadd.f32 v21, v16;
	v21 =	vadd.f32 v25, v8;
	v25 =	vmov s20;
	[tilespmem:v27+s13+$0x0] =	vst.idx.add.f32.msk $0xffff, v24  }
0xb4: {  	s30 =	simm.s32 $0xB;
	v49 =	vmul.f32 v37, v37;
	v25 =	vand.u32 $0xFFFFFFF9, v25;
	v60 =	vor.u32 v5, v12;
	[tilespmem:v59+s13+$0x0] =	vst.idx.add.f32.msk $0xffff, v31  }
0xb5: {  	v25 =	vbroadcast v25, $0x0;
	v26 =	vor.u32 v7, v26;
	v27 =	vmov s30;
	v62 =	vld [tilespmem:s18+$0xFFFFFFB0]  }
0xb6: {  	v36 =	vmul.f32 v36, v36;
	v29 =	vor.u32 v7, v29;
	v27 =	vand.u32 $0xFFFFFFFB, v27;
	v61 =	vld [tilespmem:s18+$0xFFFFFF30]  }
0xb7: {  	v19 =	vadd.f32 v19, v21;
	[tilespmem:v45+s13+$0x0] =	vst.idx.add.f32.msk $0xffff, v42;
	v11 =	vadd.f32 v11, v8;
	v21 =	vbroadcast v27, $0x0  }
0xb8: {  	v17 =	vadd.f32 v49, v17;
	v10 =	vmul.f32 v10, v10;
	v14 =	vmul.f32 v14, v14;
	v63 =	vld [tilespmem:s19+$0x60]  }
0xb9: {  	[tilespmem:v60+s13+$0x0] =	vst.idx.add.f32.msk $0xffff, v28;
	v20 =	vadd.f32 v20, v11;
	v11 =	vshll.u32 v35, $0x6;
	v27 =	vadd.f32 v36, v8  }
0xba: {  	v50 =	vmul.f32 v55, v55;
	[tilespmem:v26+s13+$0x0] =	vst.idx.add.f32.msk $0xffff, v62;
	v26 =	vor.u32 v4, v11  }
0xbb: {  	v30 =	vshll.u32 v30, $0x6;
	v27 =	vadd.f32 v10, v27;
	[tilespmem:v29+s13+$0x0] =	vst.idx.add.f32.msk $0xffff, v61;
	v29 =	vor.u32 v6, v13  }
0xbc: {  	v10 =	vadd.f32 v14, v18;
	v14 =	vadd.f32 v50, v17;
	v17 =	vor.u32 v4, v30;
	v25 =	vld.idx.msk [tilespmem:v25+s9+$0x0], $0xffff  }
0xbd: {  	v15 =	vld.idx.msk [tilespmem:v21+s9+$0x0], $0xffff  }
0xbe: {  	v32 =	vmul.f32 v48, v48;
	v18 =	vmul.f32 v41, v41;
	v54 =	vld [tilespmem:s18+$0xFFFFFFC0]  }
0xbf: {  	v22 =	vmul.f32 v22, v22;
	[tilespmem:v26+s13+$0x0] =	vst.idx.add.f32.msk $0xffff, v48;
	v26 =	vmul.f32 v40, v40  }
0xc0: {  	v18 =	vadd.f32 v18, v23;
	[tilespmem:v29+s13+$0x0] =	vst.idx.add.f32.msk $0xffff, v63;
	v29 =	vmul.f32 v31, v31  }
0xc1: {  	v23 =	vmul.f32 v44, v44;
	[tilespmem:v17+s13+$0x0] =	vst.idx.add.f32.msk $0xffff, v9;
	v25 =	vshll.u32 v25, $0x6;
	v16 =	vadd.f32 v26, v16  }
0xc2: {  	v52 =	vshll.u32 v15, $0x6;
	v10 =	vadd.f32 v29, v10;
	v26 =	vor.u32 v4, v25;
	v29 =	vld [tilespmem:s18+$0xFFFFFF40]  }
0xc3: {  	v17 =	vadd.f32 v23, v18;
	v23 =	vmul.f32 v61, v61;
	v31 =	vld [tilespmem:s18+$0x20];
	v53 =	vor.u32 v4, v52  }
0xc4: {  	v55 =	vmul.f32 v42, v42;
	v24 =	vmul.f32 v24, v24  }
0xc5: {  	v14 =	vadd.f32 v23, v14;
	v23 =	vld [tilespmem:s19+$0xD0];
	v22 =	vadd.f32 v22, v16;
	v16 =	vmul.f32 v58, v58  }
0xc6: {  	v21 =	vmul.f32 v56, v56;
	v18 =	vld [tilespmem:s19+$0x70];
	v10 =	vadd.f32 v24, v10;
	v24 =	vmul.f32 v62, v62  }
0xc7: {  	v17 =	vadd.f32 v16, v17;
	[tilespmem:v26+s13+$0x0] =	vst.idx.add.f32.msk $0xffff, v29;
	v26 =	vor.u32 v5, v30  }
0xc8: {  	v16 =	vadd.f32 v24, v14;
	v24 =	vmul.f32 v31, v31;
	[tilespmem:v53+s13+$0x0] =	vst.idx.add.f32.msk $0xffff, v54  }
0xc9: {  	v20 =	vadd.f32 v21, v20;
	v21 =	vmul.f32 v9, v9;
	v56 =	vor.u32 v5, v25;
	v14 =	vld [tilespmem:s18+$0xFFFFFF50]  }
0xca: {  	v9 =	vadd.f32 v32, v17;
	v17 =	vadd.f32 v24, v10;
	v24 =	vld [tilespmem:s18+$0xFFFFFFD0];
	v10 =	vor.u32 v5, v52  }
0xcb: {  	v58 =	vld [tilespmem:s18+$0x90]  }
0xcc: {  	v19 =	vadd.f32 v55, v19;
	v28 =	vmul.f32 v28, v28;
	[tilespmem:v26+s13+$0x0] =	vst.idx.add.f32.msk $0xffff, v23  }
0xcd: {  	v20 =	vadd.f32 v21, v20;
	v21 =	vmul.f32 v23, v23;
	v26 =	vor.u32 v6, v30;
	v23 =	vld [tilespmem:s19+$0xE0]  }
0xce: {  	v57 =	vmul.f32 v63, v63;
	v63 =	vor.u32 v5, v11;
	[tilespmem:v56+s13+$0x0] =	vst.idx.add.f32.msk $0xffff, v14  }
0xcf: {  	v22 =	vadd.f32 v28, v22;
	v29 =	vmul.f32 v29, v29;
	[tilespmem:v10+s13+$0x0] =	vst.idx.add.f32.msk $0xffff, v24  }
0xd0: {  	v28 =	vor.u32 v6, v25;
	v19 =	vadd.f32 v21, v19;
	v60 =	vmul.f32 v58, v58;
	v21 =	vld [tilespmem:s18+$0xFFFFFF60]  }
0xd1: {  	v62 =	vor.u32 v6, v52;
	v20 =	vadd.f32 v29, v20;
	v14 =	vmul.f32 v14, v14;
	v61 =	vld [tilespmem:s18+$0xFFFFFFE0]  }
0xd2: {  	v29 =	vmul.f32 v54, v54;
	v10 =	vadd.f32 v60, v22;
	[tilespmem:v26+s13+$0x0] =	vst.idx.add.f32.msk $0xffff, v23  }
0xd3: {  	v19 =	vadd.f32 v14, v19;
	v14 =	vadd.f32 v57, v51;
	v22 =	vmul.f32 v23, v23;
	v26 =	vld [tilespmem:s19+$0xF0]  }
0xd4: {  	v30 =	vor.u32 v7, v30;
	v23 =	vmul.f32 v24, v24;
	v24 =	vor.u32 v6, v12  }
0xd5: {  	[tilespmem:v28+s13+$0x0] =	vst.idx.add.f32.msk $0xffff, v21;
	v28 =	vmul.f32 v21, v21;
	v22 =	vadd.f32 v22, v14  }
0xd6: {  	v15 =	vor.u32 v7, v12;
	v59 =	vmul.f32 v18, v18;
	v21 =	vld [tilespmem:s18+$0xFFFFFF70];
	v14 =	vadd.f32 v29, v20  }
0xd7: {  	[tilespmem:v62+s13+$0x0] =	vst.idx.add.f32.msk $0xffff, v61;
	v12 =	vadd.f32 v23, v19;
	v20 =	vadd.f32 v28, v22  }
0xd8: {  	v23 =	vld [tilespmem:s18+$0xFFFFFFF0];
	v22 =	vor.u32 v7, v25;
	v25 =	vadd.f32 v59, v27;
	v27 =	vmul.f32 v26, v26  }
0xd9: {  	v19 =	vmul.f32 v61, v61;
	[tilespmem:v30+s13+$0x0] =	vst.idx.add.f32.msk $0xffff, v26;
	v26 =	vor.u32 v7, v13  }
0xda: {  	[tilespmem:v24+s13+$0x0] =	vst.idx.add.f32.msk $0xffff, v31;
	v24 =	vadd.f32 v27, v25;
	v27 =	vor.u32 v7, v52  }
0xdb: {  	s31 =	simm.s32 $0xD;
	[tilespmem:v63+s13+$0x0] =	vst.idx.add.f32.msk $0xffff, v58;
	v13 =	vadd.f32 v19, v20;
	v20 =	vmul.f32 v21, v21  }
0xdc: {  	v29 =	vmov s31;
	v28 =	vor.u32 v6, v11;
	v19 =	vld [tilespmem:s18+$0xA0]  }
0xdd: {  	s21 =	simm.s32 $0x10;
	s20 =	simm.s32 $0x4;
	s19 =	simm.s32 $0x300;
	v29 =	vand.u32 $0xFFFFFFFD, v29;
	v25 =	vld [tilespmem:s18+$0x30];
	v20 =	vadd.f32 v20, v24;
	v24 =	vmul.f32 v23, v23  }
.LBB2_2:
0xde: {  	v30 =	vmov s21;
	s22 =	sadd.s32 $0x1, s21;
	s23 =	sadd.s32 $0x2, s21;
	s20 =	sadd.s32 $0x4, s20;
	v29 =	vbroadcast v29, $0x0;
	[tilespmem:v26+s13+$0x0] =	vst.idx.add.f32.msk $0xffff, v18  }
0xdf: {  	v18 =	vand.u32 $0xFFFFFFF8, v30;
	v26 =	vmov s22;
	v30 =	vmov s23;
	s22 =	sadd.s32 $0x4, s21;
	p1 =	slt.u32 s20, $0xFC;
	[tilespmem:v27+s13+$0x0] =	vst.idx.add.f32.msk $0xffff, v23  }
0xe0: {  	s23 =	sadd.s32 $0x6, s21;
	v18 =	vbroadcast v18, $0x0;
	v23 =	vand.u32 $0xFFFFFFF9, v26;
	v26 =	vand.u32 $0xFFFFFFFA, v30;
	[tilespmem:v22+s13+$0x0] =	vst.idx.add.f32.msk $0xffff, v21  }
0xe1: {  	v22 =	vmov s22;
	v21 =	vbroadcast v26, $0x0;
	v26 =	vmov s23;
	[tilespmem:v28+s13+$0x0] =	vst.idx.add.f32.msk $0xffff, v19  }
0xe2: {  	v22 =	vand.u32 $0xFFFFFFFC, v22;
	v27 =	vmul.f32 v19, v19;
	v26 =	vand.u32 $0xFFFFFFFE, v26;
	v28 =	vld [tilespmem:s18+$0xB0]  }
0xe3: {  	v19 =	vadd.f32 v24, v20;
	v20 =	vmul.f32 v25, v25;
	v26 =	vbroadcast v26, $0x0;
	[tilespmem:v15+s13+$0x0] =	vst.idx.add.f32.msk $0xffff, v25  }
0xe4: {  	v17 =	vadd.f32 v27, v17;
	v15 =	vld.idx.msk [tilespmem:v29+s9+$0x0], $0xffff  }
0xe5: {  	v11 =	vor.u32 v7, v11;
	s22 =	sadd.s32 $0x7, s17;
	s17 =	smov.u32 s21;
	v24 =	vld [tilespmem:s18+$0x40]  }
0xe6: {  	v22 =	vbroadcast v22, $0x0;
	v25 =	vmov s22;
	v18 =	vld.idx.msk [tilespmem:v18+s9+$0x0], $0xffff  }
0xe7: {  	v16 =	vadd.f32 v20, v16;
	s18 =	sadd.s32 $0x200, s18;
	v21 =	vld.idx.msk [tilespmem:v21+s9+$0x0], $0xffff;
	v20 =	vmul.f32 v28, v28  }
0xe8: {  	v27 =	vld [tilespmem:s18+$0xFFFFFF00]  }
0xe9: {  	v26 =	vld.idx.msk [tilespmem:v26+s9+$0x0], $0xffff;
	v16 =	vadd.f32 v20, v16  }
0xea: {  	v20 =	vshll.u32 v15, $0x6;
	v29 =	vmul.f32 v24, v24;
	[tilespmem:v11+s13+$0x0] =	vst.idx.add.f32.msk $0xffff, v28  }
0xeb: {  	v15 =	vor.u32 v4, v20;
	v25 =	vld.idx.msk [tilespmem:v25+s9+$0x0], $0xffff  }
0xec: {  	v18 =	vshll.u32 v18, $0x6;
	v28 =	vld.idx.msk [tilespmem:v22+s9+$0x0], $0xffff  }
0xed: {  	v30 =	vor.u32 v4, v18;
	v32 =	vshll.u32 v21, $0x6;
	v31 =	vmul.f32 v27, v27;
	v33 =	vld [tilespmem:s19+$0xC0]  }
0xee: {  	v34 =	vld [tilespmem:s18+$0x0]  }
0xef: {  	v35 =	vor.u32 v4, v32;
	v11 =	vshll.u32 v26, $0x6;
	v36 =	vld [tilespmem:s18+$0xFFFFFF80]  }
0xf0: {  	[tilespmem:v15+s13+$0x0] =	vst.idx.add.f32.msk $0xffff, v24  }
0xf1: {  	v26 =	vor.u32 v5, v20;
	v22 =	vshll.u32 v25, $0x6;
	v24 =	vld [tilespmem:s19+$0x50]  }
0xf2: {  	v21 =	vshll.u32 v28, $0x6;
	[tilespmem:v30+s13+$0x0] =	vst.idx.add.f32.msk $0xffff, v27  }
0xf3: {  	v27 =	vor.u32 v5, v18;
	v15 =	vor.u32 v7, v21;
	v25 =	vld [tilespmem:s18+$0xFFFFFF10]  }
0xf4: {  	v9 =	vadd.f32 v31, v9;
	v28 =	vmul.f32 v36, v36;
	[tilespmem:v35+s13+$0x0] =	vst.idx.add.f32.msk $0xffff, v36  }
0xf5: {  	v31 =	vor.u32 v5, v32;
	v30 =	vld [tilespmem:s18+$0xFFFFFF90]  }
0xf6: {  	v9 =	vadd.f32 v28, v9;
	v28 =	vmul.f32 v24, v24;
	[tilespmem:v26+s13+$0x0] =	vst.idx.add.f32.msk $0xffff, v24  }
0xf7: {  	v24 =	vor.u32 v4, v21;
	v26 =	vld [tilespmem:s19+$0x60]  }
0xf8: {  	v35 =	vmul.f32 v25, v25;
	[tilespmem:v27+s13+$0x0] =	vst.idx.add.f32.msk $0xffff, v25  }
0xf9: {  	v27 =	vor.u32 v6, v18;
	v25 =	vld [tilespmem:s18+$0xFFFFFF20]  }
0xfa: {  	v10 =	vadd.f32 v35, v10;
	v35 =	vmul.f32 v30, v30;
	[tilespmem:v31+s13+$0x0] =	vst.idx.add.f32.msk $0xffff, v30  }
0xfb: {  	v31 =	vor.u32 v6, v32;
	v30 =	vld [tilespmem:s18+$0xFFFFFFA0]  }
0xfc: {  	v10 =	vadd.f32 v35, v10;
	[tilespmem:v24+s13+$0x0] =	vst.idx.add.f32.msk $0xffff, v34;
	v24 =	vmul.f32 v26, v26  }
0xfd: {  	v36 =	vor.u32 v5, v21;
	v35 =	vld [tilespmem:s18+$0x10]  }
0xfe: {  	s22 =	sadd.s32 $0x3, s21;
	v37 =	vmul.f32 v25, v25;
	[tilespmem:v27+s13+$0x0] =	vst.idx.add.f32.msk $0xffff, v25  }
0xff: {  	v23 =	vbroadcast v23, $0x0;
	v18 =	vor.u32 v7, v18;
	v27 =	vmov s22;
	v25 =	vld [tilespmem:s18+$0xFFFFFF30]  }
0x100: {  	v27 =	vand.u32 $0xFFFFFFFB, v27;
	v17 =	vadd.f32 v37, v17;
	v37 =	vmul.f32 v30, v30;
	[tilespmem:v31+s13+$0x0] =	vst.idx.add.f32.msk $0xffff, v30  }
0x101: {  	v31 =	vor.u32 v7, v32;
	v27 =	vbroadcast v27, $0x0;
	v30 =	vld [tilespmem:s18+$0xFFFFFFB0]  }
0x102: {  	v17 =	vadd.f32 v37, v17;
	v32 =	vmul.f32 v35, v35;
	[tilespmem:v36+s13+$0x0] =	vst.idx.add.f32.msk $0xffff, v35  }
0x103: {  	v35 =	vld [tilespmem:s18+$0x80]  }
0x104: {  	[tilespmem:v18+s13+$0x0] =	vst.idx.add.f32.msk $0xffff, v25;
	v18 =	vor.u32 v6, v20  }
0x105: {  	v34 =	vmul.f32 v34, v34;
	v25 =	vmul.f32 v25, v25;
	v23 =	vld.idx.msk [tilespmem:v23+s9+$0x0], $0xffff  }
0x106: {  	v36 =	vmul.f32 v30, v30;
	[tilespmem:v31+s13+$0x0] =	vst.idx.add.f32.msk $0xffff, v30;
	v30 =	vor.u32 v4, v11  }
0x107: {  	v16 =	vadd.f32 v25, v16;
	v25 =	vld.idx.msk [tilespmem:v27+s9+$0x0], $0xffff  }
0x108: {  	v9 =	vadd.f32 v34, v9;
	v31 =	vld [tilespmem:s18+$0x20];
	v27 =	vmul.f32 v35, v35  }
0x109: {  	v16 =	vadd.f32 v36, v16;
	[tilespmem:v18+s13+$0x0] =	vst.idx.add.f32.msk $0xffff, v26  }
0x10a: {  	v26 =	vor.u32 v4, v22;
	v9 =	vadd.f32 v27, v9;
	v18 =	vld [tilespmem:s19+$0x70]  }
0x10b: {  	v23 =	vshll.u32 v23, $0x6;
	[tilespmem:v30+s13+$0x0] =	vst.idx.add.f32.msk $0xffff, v35  }
0x10c: {  	v27 =	vor.u32 v4, v23;
	v30 =	vld [tilespmem:s18+$0xFFFFFF40]  }
0x10d: {  	v25 =	vshll.u32 v25, $0x6;
	v34 =	vmul.f32 v31, v31;
	v35 =	vld [tilespmem:s18+$0x90]  }
0x10e: {  	v14 =	vadd.f32 v29, v14;
	v36 =	vor.u32 v4, v25;
	v37 =	vld [tilespmem:s18+$0xFFFFFFC0]  }
0x10f: {  	v38 =	vmul.f32 v33, v33;
	v29 =	vmul.f32 v18, v18;
	[tilespmem:v26+s13+$0x0] =	vst.idx.add.f32.msk $0xffff, v33  }
0x110: {  	v17 =	vadd.f32 v34, v17;
	v33 =	vor.u32 v5, v22;
	v26 =	vld [tilespmem:s19+$0xD0]  }
0x111: {  	v14 =	vadd.f32 v38, v14;
	v34 =	vmul.f32 v30, v30;
	[tilespmem:v27+s13+$0x0] =	vst.idx.add.f32.msk $0xffff, v30  }
0x112: {  	v10 =	vadd.f32 v32, v10;
	v30 =	vor.u32 v5, v23;
	v27 =	vld [tilespmem:s18+$0xFFFFFF50];
	v32 =	vmul.f32 v35, v35  }
0x113: {  	v14 =	vadd.f32 v34, v14;
	v34 =	vmul.f32 v37, v37;
	[tilespmem:v36+s13+$0x0] =	vst.idx.add.f32.msk $0xffff, v37  }
0x114: {  	v37 =	vor.u32 v5, v25;
	v36 =	vld [tilespmem:s18+$0xFFFFFFD0];
	v10 =	vadd.f32 v32, v10  }
0x115: {  	v12 =	vadd.f32 v28, v12;
	v28 =	vmul.f32 v26, v26;
	[tilespmem:v33+s13+$0x0] =	vst.idx.add.f32.msk $0xffff, v26  }
0x116: {  	v32 =	vor.u32 v6, v22;
	v14 =	vadd.f32 v34, v14;
	v26 =	vld [tilespmem:s19+$0xE0]  }
0x117: {  	v33 =	vmul.f32 v27, v27;
	[tilespmem:v30+s13+$0x0] =	vst.idx.add.f32.msk $0xffff, v27;
	v12 =	vadd.f32 v28, v12  }
0x118: {  	v28 =	vor.u32 v6, v23;
	v27 =	vld [tilespmem:s18+$0xFFFFFF60]  }
0x119: {  	v12 =	vadd.f32 v33, v12;
	v30 =	vmul.f32 v36, v36;
	[tilespmem:v37+s13+$0x0] =	vst.idx.add.f32.msk $0xffff, v36  }
0x11a: {  	v34 =	vor.u32 v6, v25;
	v33 =	vld [tilespmem:s18+$0xFFFFFFE0]  }
0x11b: {  	v13 =	vadd.f32 v24, v13;
	v24 =	vmul.f32 v26, v26;
	[tilespmem:v32+s13+$0x0] =	vst.idx.add.f32.msk $0xffff, v26  }
0x11c: {  	v12 =	vadd.f32 v30, v12;
	v32 =	vor.u32 v7, v22;
	v30 =	vld [tilespmem:s19+$0xF0];
	s19 =	smov.u32 s18  }
0x11d: {  	[tilespmem:v28+s13+$0x0] =	vst.idx.add.f32.msk $0xffff, v27;
	v28 =	vor.u32 v6, v21;
	v13 =	vadd.f32 v24, v13  }
0x11e: {  	v22 =	vmul.f32 v27, v27;
	v24 =	vor.u32 v5, v11;
	v21 =	vld [tilespmem:s18+$0xFFFFFF70]  }
0x11f: {  	v27 =	vmul.f32 v33, v33;
	[tilespmem:v34+s13+$0x0] =	vst.idx.add.f32.msk $0xffff, v33  }
0x120: {  	v26 =	vor.u32 v7, v20;
	v13 =	vadd.f32 v22, v13;
	v22 =	vor.u32 v7, v23;
	v23 =	vld [tilespmem:s18+$0xFFFFFFF0]  }
.Ltmp0:
0x121: {  	v19 =	vadd.f32 v29, v19;
	v20 =	vmul.f32 v30, v30;
	[tilespmem:v32+s13+$0x0] =	vst.idx.add.f32.msk $0xffff, v30;
	(pc) =	sbr.rel @p1 .LBB2_2-.Ltmp0, $4  }
0x122: {  	v13 =	vadd.f32 v27, v13;
	v27 =	vor.u32 v7, v25;
	[tilespmem:v28+s13+$0x0] =	vst.idx.add.f32.msk $0xffff, v31  }
0x123: {  	s22 =	sadd.s32 $0x5, s21;
	v25 =	vmul.f32 v21, v21;
	[tilespmem:v24+s13+$0x0] =	vst.idx.add.f32.msk $0xffff, v35;
	v20 =	vadd.f32 v20, v19  }
0x124: {  	v29 =	vmov s22;
	v28 =	vor.u32 v6, v11;
	v19 =	vld [tilespmem:s18+$0xA0]  }
0x125: {  	s21 =	sadd.s32 $0x8, s21;
	v29 =	vand.u32 $0xFFFFFFFD, v29;
	v20 =	vadd.f32 v25, v20;
	v24 =	vmul.f32 v23, v23;
	v25 =	vld [tilespmem:s18+$0x30]  }
0x126: {  	_ =	sdelay $0x2  }
0x127: {  	v29 =	vbroadcast v29, $0x0  }
0x128: {  	[tilespmem:v28+s13+$0x0] =	vst.idx.add.f32.msk $0xffff, v19  }
0x129: {  	v11 =	vor.u32 v7, v11;
	s17 =	sadd.s32 $0x7, s17;
	v28 =	vld [tilespmem:s18+$0xB0]  }
0x12a: {  	v30 =	vmov s17;
	_ =	sdelay $0x1  }
0x12b: {  	[tilespmem:v15+s13+$0x0] =	vst.idx.add.f32.msk $0xffff, v25  }
0x12c: {  	v15 =	vld.idx.msk [tilespmem:v29+s9+$0x0], $0xffff  }
0x12d: {  	[tilespmem:v11+s13+$0x0] =	vst.idx.add.f32.msk $0xffff, v28  }
0x12e: {  	v11 =	vld.idx.msk [tilespmem:v30+s9+$0x0], $0xffff;
	_ =	sdelay $0x2  }
0x12f: {  	v15 =	vshll.u32 v15, $0x6  }
0x130: {  	v55 =	vld [tilespmem:s18+$0x40];
	v56 =	vor.u32 v4, v15  }
0x131: {  	v11 =	vshll.u32 v11, $0x6  }
0x132: {  	v31 =	vld [tilespmem:s19+$0xC0];
	v32 =	vor.u32 v4, v11;
	_ =	sdelay $0x2  }
0x133: {  	[tilespmem:v56+s13+$0x0] =	vst.idx.add.f32.msk $0xffff, v55  }
0x134: {  	v33 =	vor.u32 v5, v15;
	v30 =	vld [tilespmem:s19+$0x50]  }
0x135: {  	[tilespmem:v32+s13+$0x0] =	vst.idx.add.f32.msk $0xffff, v31  }
0x136: {  	v34 =	vor.u32 v5, v11;
	v32 =	vld [tilespmem:s19+$0xD0];
	_ =	sdelay $0x2  }
0x137: {  	[tilespmem:v33+s13+$0x0] =	vst.idx.add.f32.msk $0xffff, v30  }
0x138: {  	v35 =	vor.u32 v6, v15;
	v33 =	vld [tilespmem:s19+$0x60]  }
0x139: {  	[tilespmem:v34+s13+$0x0] =	vst.idx.add.f32.msk $0xffff, v32  }
0x13a: {  	v36 =	vor.u32 v6, v11;
	v34 =	vld [tilespmem:s19+$0xE0];
	_ =	sdelay $0x2  }
0x13b: {  	[tilespmem:v35+s13+$0x0] =	vst.idx.add.f32.msk $0xffff, v33  }
0x13c: {  	v58 =	vld [tilespmem:s19+$0x70]  }
0x13d: {  	v15 =	vor.u32 v7, v15;
	[tilespmem:v36+s13+$0x0] =	vst.idx.add.f32.msk $0xffff, v34  }
0x13e: {  	v11 =	vor.u32 v7, v11;
	v57 =	vld [tilespmem:s19+$0xF0]  }
0x13f: {  	[tilespmem:v26+s13+$0x0] =	vst.idx.add.f32.msk $0xffff, v18  }
0x140: {  	[tilespmem:v27+s13+$0x0] =	vst.idx.add.f32.msk $0xffff, v23  }
0x141: {  	[tilespmem:v22+s13+$0x0] =	vst.idx.add.f32.msk $0xffff, v21  }
0x142: {  	[tilespmem:v15+s13+$0x0] =	vst.idx.add.f32.msk $0xffff, v58  }
0x143: {  	s30 =	simm.s32 $0x8020;
	[tilespmem:v11+s13+$0x0] =	vst.idx.add.f32.msk $0xffff, v57  }
0x144: {  	v11 =	vld [tilespmem:s30+$0xFFFFFFE0]  }
0x145: {  	v15 =	vld [tilespmem:s30+$0xFFFFFFF0];
	_ =	sdelay $0x1  }
0x146: {  	v18 =	vld [tilespmem:s30+$0x0];
	_ =	sdelay $0x1  }
0x147: {  	v22 =	vmul.f32 v25, v25;
	v21 =	vld [tilespmem:s30+$0x10]  }
0x148: {  	s31 =	simm.s32 $0x8060  }
0x149: {  	v22 =	vadd.f32 v22, v16;
	v16 =	vmul.f32 v19, v19;
	v59 =	vld [tilespmem:s31+$0xFFFFFFE0]  }
0x14a: {  	v23 =	vmul.f32 v55, v55;
	v60 =	vld.idx.msk [tilespmem:v11+s14+$0x0], $0xffff  }
0x14b: {  	v16 =	vadd.f32 v16, v17;
	v19 =	vmul.f32 v28, v28;
	v27 =	vld.idx.msk [tilespmem:v15+s14+$0x0], $0xffff  }
0x14c: {  	v17 =	vmul.f32 v33, v33;
	v11 =	vadd.f32 v23, v14;
	v23 =	vmul.f32 v30, v30;
	v15 =	vld [tilespmem:s31+$0xFFFFFFF0]  }
0x14d: {  	v20 =	vadd.f32 v24, v20;
	v14 =	vadd.f32 v19, v22;
	v22 =	vmul.f32 v58, v58;
	v19 =	vld.idx.msk [tilespmem:v18+s14+$0x0], $0xffff  }
0x14e: {  	v18 =	vmul.f32 v32, v32;
	v12 =	vadd.f32 v23, v12;
	v23 =	vadd.f32 v17, v13;
	v17 =	vld [tilespmem:s31+$0x0]  }
0x14f: {  	v63 =	vmul.f32 v57, v57;
	v22 =	vadd.f32 v22, v20;
	v20 =	vld.idx.msk [tilespmem:v21+s14+$0x0], $0xffff;
	v25 =	vadd.f32 v60, v8  }
0x150: {  	v61 =	vmul.f32 v31, v31;
	v62 =	vmul.f32 v34, v34;
	v13 =	vadd.f32 v18, v12;
	v18 =	vld [tilespmem:s31+$0x10]  }
0x151: {  	v8 =	vadd.f32 v63, v22;
	v22 =	vadd.f32 v27, v25  }
0x152: {  	s17 =	simm.s32 $0x4;
	s18 =	simm.s32 $0x80A0;
	v11 =	vadd.f32 v61, v11;
	v21 =	vld.idx.msk [tilespmem:v59+s14+$0x0], $0xffff;
	v12 =	vadd.f32 v62, v23  }
.LBB2_4:
0x153: {  	v23 =	vld [tilespmem:s18+$0xFFFFFFE0];
	s17 =	sadd.s32 $0x4, s17;
	v19 =	vadd.f32 v19, v22  }
0x154: {  	p1 =	slt.u32 s17, $0x1C;
	v22 =	vld.idx.msk [tilespmem:v15+s14+$0x0], $0xffff  }
0x155: {  	v15 =	vld [tilespmem:s18+$0xFFFFFFF0];
	v20 =	vadd.f32 v20, v19  }
0x156: {  	v19 =	vld.idx.msk [tilespmem:v17+s14+$0x0], $0xffff  }
.Ltmp1:
0x157: {  	v17 =	vld [tilespmem:s18+$0x0];
	(pc) =	sbr.rel @p1 .LBB2_4-.Ltmp1, $4  }
0x158: {  	v21 =	vadd.f32 v21, v20;
	v20 =	vld.idx.msk [tilespmem:v18+s14+$0x0], $0xffff  }
0x159: {  	v18 =	vld [tilespmem:s18+$0x10]  }
0x15a: {  	v22 =	vadd.f32 v22, v21  }
0x15b: {  	s18 =	sadd.s32 $0x40, s18;
	v21 =	vld.idx.msk [tilespmem:v23+s14+$0x0], $0xffff  }
0x15c: {  	v23 =	vld [tilespmem:$0x8680]  }
0x15d: {  	v24 =	vld [tilespmem:$0x8200]  }
0x15e: {  	v25 =	vld [tilespmem:$0x8690]  }
0x15f: {  	v26 =	vld [tilespmem:$0x8210]  }
0x160: {  	v27 =	vld [tilespmem:$0x86A0]  }
0x161: {  	v28 =	vld [tilespmem:$0x8220]  }
0x162: {  	v40 =	vld [tilespmem:$0x86B0];
	v23 =	vmul.f32 v24, v23  }
0x163: {  	v29 =	vld [tilespmem:$0x8230]  }
0x164: {  	v41 =	vld [tilespmem:$0x86C0];
	v25 =	vmul.f32 v26, v25;
	v23 =	vadd.f32 $0.0e+00, v23  }
0x165: {  	v30 =	vld [tilespmem:$0x8280]  }
0x166: {  	v43 =	vld [tilespmem:$0x86D0];
	v42 =	vmul.f32 v28, v27;
	v23 =	vadd.f32 v25, v23  }
0x167: {  	v44 =	vld [tilespmem:$0x8290]  }
0x168: {  	v45 =	vld [tilespmem:$0x86E0];
	v24 =	vmul.f32 v29, v40;
	v23 =	vadd.f32 v42, v23  }
0x169: {  	v46 =	vld [tilespmem:$0x82A0]  }
0x16a: {  	v48 =	vld [tilespmem:$0x86F0];
	v47 =	vmul.f32 v30, v41;
	v23 =	vadd.f32 v24, v23  }
0x16b: {  	v49 =	vld [tilespmem:$0x82B0]  }
0x16c: {  	v51 =	vld [tilespmem:$0x8700];
	v50 =	vmul.f32 v44, v43;
	v23 =	vadd.f32 v47, v23  }
0x16d: {  	v52 =	vld [tilespmem:$0x8300]  }
0x16e: {  	v54 =	vld [tilespmem:$0x8710];
	v53 =	vmul.f32 v46, v45;
	v23 =	vadd.f32 v50, v23  }
0x16f: {  	v55 =	vld [tilespmem:$0x8310]  }
0x170: {  	v57 =	vld [tilespmem:$0x8720];
	v56 =	vmul.f32 v49, v48;
	v23 =	vadd.f32 v53, v23  }
0x171: {  	v58 =	vld [tilespmem:$0x8320]  }
0x172: {  	v60 =	vld [tilespmem:$0x8730];
	v59 =	vmul.f32 v52, v51;
	v23 =	vadd.f32 v56, v23  }
0x173: {  	v61 =	vld [tilespmem:$0x8330]  }
0x174: {  	v63 =	vld [tilespmem:$0x8740];
	v62 =	vmul.f32 v55, v54;
	v23 =	vadd.f32 v59, v23  }
0x175: {  	v33 =	vld [tilespmem:$0x8380]  }
0x176: {  	v35 =	vld [tilespmem:$0x8750];
	v34 =	vmul.f32 v58, v57;
	v23 =	vadd.f32 v62, v23  }
0x177: {  	v36 =	vld [tilespmem:$0x8390]  }
0x178: {  	v38 =	vld [tilespmem:$0x8760];
	v37 =	vmul.f32 v61, v60;
	v23 =	vadd.f32 v34, v23  }
0x179: {  	v39 =	vld [tilespmem:$0x83A0]  }
0x17a: {  	v40 =	vmul.f32 v33, v63;
	v41 =	vld [tilespmem:$0x8770];
	v23 =	vadd.f32 v37, v23  }
0x17b: {  	v42 =	vld [tilespmem:$0x83B0]  }
0x17c: {  	v43 =	vmul.f32 v36, v35;
	v44 =	vld [tilespmem:$0x8780];
	v23 =	vadd.f32 v40, v23  }
0x17d: {  	v45 =	vld [tilespmem:$0x8400]  }
0x17e: {  	v46 =	vmul.f32 v39, v38;
	v48 =	vld [tilespmem:$0x8410];
	v23 =	vadd.f32 v43, v23  }
0x17f: {  	v47 =	vld [tilespmem:$0x8790]  }
0x180: {  	v9 =	vadd.f32 v10, v9;
	v51 =	vld [tilespmem:$0x87A0];
	v50 =	vmul.f32 v42, v41;
	v49 =	vadd.f32 v46, v23  }
0x181: {  	v52 =	vld [tilespmem:$0x8420]  }
0x182: {  	v9 =	vadd.f32 v16, v9;
	v54 =	vld [tilespmem:$0x87B0];
	v53 =	vmul.f32 v45, v44;
	v10 =	vadd.f32 v50, v49  }
0x183: {  	v19 =	vadd.f32 v19, v22;
	v55 =	vld [tilespmem:$0x8430]  }
0x184: {  	v15 =	vld.idx.msk [tilespmem:v15+s14+$0x0], $0xffff;
	v9 =	vadd.f32 v14, v9;
	v56 =	vmul.f32 v48, v47;
	v10 =	vadd.f32 v53, v10  }
0x185: {  	v57 =	vadd.f32 v20, v19  }
0x186: {  	v58 =	vld.idx.msk [tilespmem:v17+s14+$0x0], $0xffff;
	v9 =	vadd.f32 v11, v9;
	v59 =	vmul.f32 v52, v51;
	v10 =	vadd.f32 v56, v10  }
0x187: {  	v16 =	vadd.f32 v21, v57  }
0x188: {  	v9 =	vadd.f32 v13, v9;
	v60 =	vmul.f32 v55, v54;
	v10 =	vadd.f32 v59, v10  }
0x189: {  	v61 =	vld.idx.msk [tilespmem:v18+s14+$0x0], $0xffff;
	v15 =	vadd.f32 v15, v16  }
0x18a: {  	v9 =	vadd.f32 v12, v9;
	v10 =	vadd.f32 v60, v10  }
0x18b: {  	v11 =	vadd.f32 v58, v15  }
0x18c: {  	v8 =	vadd.f32 v8, v9;
	v62 =	vadd.f32 v10, v10;
	_ =	sdelay $0x1  }
0x18d: {  	v63 =	vadd.f32 v61, v11;
	v8 =	vsub.f32 v8, v62;
	_ =	sdelay $0x1  }
0x18e: {  	v8 =	vadd.f32 v8, v63;
	_ =	sdelay $0x1  }
0x18f: {  	v8 =	vmul.f32 $3.051757740e-07, v8;
	_ =	sdelay $0x1  }
0x190: {  	[tilespmem:$0x8800] =	vst v8  }
0x191: {  	[spmem:s6] =	stream.linear.scatter [tilespmem:s15], [sflag:$0x2], $0x10, $0x38;
	[tilespmem:$0x8A10] =	vst v63  }
0x192: {  	_ =	swait.ge [sflag:s10], $0x10  }
0x193: {  	[sflag:s10] =	ssyncset.done $0x0  }
0x194: {  	[sflag:s10] =	ssyncadd.s32 $0xFFFFFFF0  }
0x195: {  	s17 =	simm.s32 @!p0 $0x8880;
	[bflag:$0x0] =	sbarrier.arrive $0xFFFF  }
0x196: {  	[tilespmem:s17], [sflag:$0x2] =	stream.linear.gather @!p0 [spmem:s2], $0x100, $0x38;
	[tilespmem:$0x8A10] =	vst v63  }
0x197: {  	s17 =	simm.s32 @!p0 $0x2  }
0x198: {  	_ =	swait.ge @!p0 [sflag:s17], $0x100  }
0x199: {  	[sflag:s17] =	ssyncset.done @!p0 $0x0  }
0x19a: {  	[sflag:s17] =	ssyncadd.s32 @!p0 $0xFFFFFF00  }
0x19b: {  	v8 =	vld @!p0 [tilespmem:$0x8880];
	_ =	sdelay $0x1  }
0x19c: {  	v9 =	vld @!p0 [tilespmem:$0x8890];
	_ =	sdelay $0x1  }
0x19d: {  	v10 =	vld @!p0 [tilespmem:$0x88A0]  }
0x19e: {  	v8 =	vadd.f32 @!p0 $0.0e+00, v8  }
0x19f: {  	v11 =	vld @!p0 [tilespmem:$0x88B0]  }
0x1a0: {  	v8 =	vadd.f32 @!p0 v9, v8  }
0x1a1: {  	v9 =	vld @!p0 [tilespmem:$0x88C0]  }
0x1a2: {  	v8 =	vadd.f32 @!p0 v10, v8  }
0x1a3: {  	v10 =	vld @!p0 [tilespmem:$0x88D0]  }
0x1a4: {  	v8 =	vadd.f32 @!p0 v11, v8  }
0x1a5: {  	v11 =	vld @!p0 [tilespmem:$0x88E0]  }
0x1a6: {  	v8 =	vadd.f32 @!p0 v9, v8  }
0x1a7: {  	v9 =	vld @!p0 [tilespmem:$0x88F0]  }
0x1a8: {  	v8 =	vadd.f32 @!p0 v10, v8  }
0x1a9: {  	v10 =	vld @!p0 [tilespmem:$0x8900]  }
0x1aa: {  	v8 =	vadd.f32 @!p0 v11, v8  }
0x1ab: {  	v11 =	vld @!p0 [tilespmem:$0x8910]  }
0x1ac: {  	v8 =	vadd.f32 @!p0 v9, v8  }
0x1ad: {  	v9 =	vld @!p0 [tilespmem:$0x8920]  }
0x1ae: {  	v8 =	vadd.f32 @!p0 v10, v8  }
0x1af: {  	v10 =	vld @!p0 [tilespmem:$0x8930]  }
0x1b0: {  	v8 =	vadd.f32 @!p0 v11, v8  }
0x1b1: {  	v11 =	vld @!p0 [tilespmem:$0x8940]  }
0x1b2: {  	v8 =	vadd.f32 @!p0 v9, v8  }
0x1b3: {  	v9 =	vld @!p0 [tilespmem:$0x8950]  }
0x1b4: {  	v8 =	vadd.f32 @!p0 v10, v8  }
0x1b5: {  	v10 =	vld @!p0 [tilespmem:$0x8960]  }
0x1b6: {  	v8 =	vadd.f32 @!p0 v11, v8  }
0x1b7: {  	v11 =	vld @!p0 [tilespmem:$0x8970]  }
0x1b8: {  	v8 =	vadd.f32 @!p0 v9, v8;
	_ =	sdelay $0x1  }
0x1b9: {  	v8 =	vadd.f32 @!p0 v10, v8;
	_ =	sdelay $0x1  }
0x1ba: {  	s16 =	sadd.s32 $0x1, s16;
	v8 =	vadd.f32 @!p0 v11, v8  }
0x1bb: {  	p1 =	sne.s32 s16, s8  }
.Ltmp2:
0x1bc: {  	s18 =	simm.s32 @!p0 $0x0;
	s19 =	simm.s32 @!p0 $0x8980;
	[tilespmem:$0x8980] =	vst @!p0 v8;
	(pc) =	sbr.rel @p1 .LBB2_1-.Ltmp2, $4  }
0x1bd: {  	[hbm4b:s7+s18] =	stream.linear.scatter @!p0 [tilespmem:s19], [sflag:$0x2], $0x80, $0x38;
	[tilespmem:$0x8A10] =	vst v63  }
0x1be: {  	_ =	swait.ge @!p0 [sflag:s17], $0x80  }
0x1bf: {  	[sflag:s17] =	ssyncset.done @!p0 $0x0  }
0x1c0: {  	[sflag:s17] =	ssyncadd.s32 @!p0 $0xFFFFFF80  }
0x1c1: {  	_ =	sfence.sel $0x180000  }
0x1c2: {  	[bflag:$0x0] =	sbarrier.arrive $0xFFFF  }
0x1c3: {  	_ =	strace $0x90000047  }
0x1c4: {  	s0 =	sadd.s32 @!p0 $0x100000, s1;
	[bflag:$0x2] =	sbarrier.arrive $0xFFFF  }
0x1c5: {  	[sflag:s0] =	ssyncadd.tile.s32 @!p0 $0x1;
	_ =	shalt  }
.Lfunc_end2:
_tile_overlayer_lowered:
.L_overlay_start_2:
0x1c6: {  	(tag) =	ssettag $0x2  }
0x1c7: {  	s0 =	rddreg [dreg:$0x0];
	s2 =	stileid.u32  }
0x1c8: {  	s1 =	rddreg [dreg:$0x1];
	p0 =	sne.s32 s2, $0x0  }
0x1c9: {  	s3 =	rddreg [dreg:$0x2];
	[bflag:$0x3] =	sbarrier.arrive $0xFFFF;
	s2 =	simm.s32 @!p0 $0x1C02  }
0x1ca: {  	[timem:s3], [sflag:s2] =	dma.local @!p0 [hbm:s0], s1  }
0x1cb: {  	s0 =	simm.s32 @!p0 $0x2  }
0x1cc: {  	_ =	swait.ge @!p0 [sflag:s0], s1  }
0x1cd: {  	s1 =	ssub.s32 @!p0 $0x0, s1;
	[sflag:s0] =	ssyncset.done @!p0 $0x0  }
0x1ce: {  	[sflag:s0] =	ssyncadd.s32 @!p0 s1  }
0x1cf: {  	[bflag:$0x3] =	sbarrier.arrive $0xFFFF  }
0x1d0: {  	_ =	shalt  }

</sc_bundles>
